<compile_context>
chip_gen: v7x
topology: tpu7x:2x2x1
jax: 0.10.2.dev20260603
libtpu: 0.0.44.dev20260713+nightly
codegen_flags: <defaults>
</compile_context>

<pallas_src>
import dataclasses

import jax
import jax.numpy as jnp
from jax import lax
from jax.experimental import pallas as pl
from jax.experimental.pallas import tpu as pltpu
from jax.experimental.pallas import tpu_sc as plsc

_N_NODES = 100000
_P = 800000
_STENCIL = 8
_DIM = 3
_M = _P * _STENCIL
_M3 = _M * _DIM

_NC = 2
_NS = 16
_NW = _NC * _NS

_CHUNK = 128
_NCHUNKS = _M3 // _CHUNK
_N_ACC = ((_N_NODES * _DIM) + 383) // 384 * 384
_SEG = _N_ACC // _NS



_BP = 4000


def _mul_body(m_ref, g_ref, o_ref):
    o_ref[...] = g_ref[...] * m_ref[...]


def _mul(mass_2d, grad24):
    grid = _P // _BP
    return pl.pallas_call(
        _mul_body,
        grid=(grid,),
        in_specs=[
            pl.BlockSpec((_BP, 1), lambda i: (i, 0)),
            pl.BlockSpec((_BP, 24), lambda i: (i, 0)),
        ],
        out_specs=pl.BlockSpec((_BP, 24), lambda i: (i, 0)),
        out_shape=jax.ShapeDtypeStruct((_P, 24), jnp.float32),
    )(mass_2d, grad24)



_MACRO_I = 1024
_MACRO = _MACRO_I * _DIM
_NMACROS = _M // _MACRO_I


def _sc_body(upd_hbm, ids_hbm, zeros_hbm, out_hbm, updb0, updb1, idsb0,
             idsb1, ebuf0, ebuf1, zbuf, acc, semu, semi):
    c = lax.axis_index("c")
    s = lax.axis_index("s")
    w = c * _NS + s

    seg = s * _SEG
    pltpu.sync_copy(zeros_hbm.at[pl.ds(seg, _SEG)], zbuf)
    pltpu.sync_copy(zbuf, acc.at[pl.ds(seg, _SEG)])
    plsc.subcore_barrier()

    nbase = _NMACROS // _NW
    nextra = _NMACROS % _NW
    nmac = jnp.where(w < nextra, nbase + 1, nbase)
    base = w * nbase + jnp.minimum(w, nextra)

    bufs = ((updb0, idsb0, ebuf0), (updb1, idsb1, ebuf1))
    lane3 = lax.iota(jnp.int32, 16) * 3

    def copies(b, i):
        ub, ib = bufs[b][0], bufs[b][1]
        return (
            pltpu.make_async_copy(ids_hbm.at[pl.ds((base + i) * _MACRO_I,
                                                   _MACRO_I)],
                                  ib, semi.at[b]),
            pltpu.make_async_copy(upd_hbm.at[pl.ds((base + i) * _MACRO,
                                                   _MACRO)],
                                  ub, semu.at[b]),
        )

    def start(b, i):
        for cp in copies(b, i):
            cp.start()

    def finish(b, i):
        for cp in copies(b, i):
            cp.wait()
        ub, ib, eb = bufs[b]

        @pl.loop(0, _MACRO_I // 16)
        def _(k):
            v3 = ib[pl.ds(k * 16, 16)] * 3
            off = k * 48
            for d in range(3):
                plsc.store_scatter(eb, [lane3 + (off + d)], v3 + d)

        pltpu.sync_copy(ub, acc.at[eb], add=True)

    start(0, 0)

    @pl.loop(0, nmac // 2)
    def _(p):
        i0 = 2 * p
        start(1, i0 + 1)
        finish(0, i0)

        @pl.when(i0 + 2 < nmac)
        def _():
            start(0, i0 + 2)

        finish(1, i0 + 1)

    @pl.when(nmac % 2 == 1)
    def _():
        finish(0, nmac - 1)

    plsc.subcore_barrier()
    pltpu.sync_copy(acc.at[pl.ds(seg, _SEG)], zbuf)
    pltpu.sync_copy(zbuf, out_hbm.at[pl.ds(c * _N_ACC + seg, _SEG)])


def _sc_compiler_params():
    cp = pltpu.CompilerParams()
    if "needs_layout_passes" in pltpu.CompilerParams.__dataclass_fields__:
        cp = dataclasses.replace(cp, needs_layout_passes=False)
    return cp


def _sc_scatter(upd, ids_flat, zeros):
    mesh = plsc.VectorSubcoreMesh(core_axis_name="c", subcore_axis_name="s")
    f = pl.kernel(
        _sc_body,
        out_type=jax.ShapeDtypeStruct((_NC * _N_ACC,), jnp.float32),
        mesh=mesh,
        compiler_params=_sc_compiler_params(),
        scratch_types=[
            pltpu.VMEM((_MACRO,), jnp.float32),
            pltpu.VMEM((_MACRO,), jnp.float32),
            pltpu.VMEM((_MACRO_I,), jnp.int32),
            pltpu.VMEM((_MACRO_I,), jnp.int32),
            pltpu.VMEM((_MACRO,), jnp.int32),
            pltpu.VMEM((_MACRO,), jnp.int32),
            pltpu.VMEM((_SEG,), jnp.float32),
            pltpu.VMEM_SHARED((_N_ACC,), jnp.float32),
            pltpu.SemaphoreType.DMA((2,)),
            pltpu.SemaphoreType.DMA((2,)),
        ],
    )
    return f(upd, ids_flat, zeros)



def _add_body(p_ref, o_ref):
    o_ref[...] = p_ref[0] + p_ref[1]


def _add(partials):
    bn = 2000
    grid = _N_NODES // bn
    return pl.pallas_call(
        _add_body,
        grid=(grid,),
        in_specs=[pl.BlockSpec((2, bn, _DIM), lambda i: (0, i, 0))],
        out_specs=pl.BlockSpec((bn, _DIM), lambda i: (i, 0)),
        out_shape=jax.ShapeDtypeStruct((_N_NODES, _DIM), jnp.float32),
    )(partials)


def kernel(mass_stack, shapef_grad_stack, node_id_stack):
    contrib24 = _mul(mass_stack.reshape(_P, 1),
                     shapef_grad_stack.reshape(_P, 24))
    upd = contrib24.reshape(_M3)
    ids_flat = node_id_stack.reshape(_M)
    zeros = jnp.zeros((_N_ACC,), jnp.float32)
    partials = _sc_scatter(upd, ids_flat, zeros)
    partials = partials.reshape(_NC, _N_ACC // _DIM, _DIM)
    return _add(partials)

# --- scband reference (transcript-rebuilt; emitter-appended) ---
"""Pipeline reference for scband-node-level-set-81329500717060 (READ-ONLY COPY).

The authoritative reference and input builder live on the scoring server;
editing this copy changes nothing except your own understanding.
"""

import jax, jax.numpy as jnp
import numpy as np

N_NODES = 100000
N_PARTICLES = 800000
STENCIL = 8
DIM = 3


def setup_inputs(seed: int = 0) -> dict:
    key = jax.random.key(seed)
    k1, k2, k3 = jax.random.split(key, 3)
    mass_stack = jax.random.uniform(k1, (N_PARTICLES,), dtype=jnp.float32) + 0.1
    shapef_grad_stack = jax.random.normal(k2, (N_PARTICLES, STENCIL, DIM), dtype=jnp.float32)
    node_id_stack = jax.random.randint(k3, (N_PARTICLES, STENCIL), 0, N_NODES, dtype=jnp.int32)
    return {
        "mass_stack": mass_stack,
        "shapef_grad_stack": shapef_grad_stack,
        "node_id_stack": node_id_stack,
    }


def reference(mass_stack, shapef_grad_stack, node_id_stack):
    # NodeLevelSet.__call__: per grid node, accumulate mass-weighted shape-function
    # gradients over all contributing particle/stencil-weight pairs:
    #   normal += (shapef_grad[p_id, w_id] * mass[p_id])[:dim]
    # grid.vmap_grid_gather_fori(fn, zeros(dim)) is a per-node gather-reduce, which is
    # mathematically a scatter-add of contributions keyed by destination node id.
    contrib = shapef_grad_stack[..., :DIM] * mass_stack[:, None, None]  # [P, W, dim]
    flat_ids = node_id_stack.reshape(-1)
    flat_contrib = contrib.reshape(-1, DIM)
    normal_stack = jnp.zeros((N_NODES, DIM), dtype=flat_contrib.dtype).at[flat_ids].add(flat_contrib)
    return normal_stack

if __name__ == "__main__":
    import jax
    _d = setup_inputs()
    print(jax.jit(kernel)(*tuple(_d.values())))

</pallas_src>

<mosaic_0001>
#map = affine_map<(d0, d1) -> (0)>
module attributes {stable_mosaic.version = 14 : i64} {
  func.func @_sc_body(%arg0: i32, %arg1: i32, %arg2: memref<19200000xf32, #tpu.memory_space<hbm>>, %arg3: memref<6400000xi32, #tpu.memory_space<hbm>>, %arg4: memref<300288xf32, #tpu.memory_space<hbm>>, %arg5: memref<600576xf32, #tpu.memory_space<hbm>>, %arg6: memref<3072xf32, #tpu.memory_space<vmem>>, %arg7: memref<3072xf32, #tpu.memory_space<vmem>>, %arg8: memref<1024xi32, #tpu.memory_space<vmem>>, %arg9: memref<1024xi32, #tpu.memory_space<vmem>>, %arg10: memref<3072xi32, #tpu.memory_space<vmem>>, %arg11: memref<3072xi32, #tpu.memory_space<vmem>>, %arg12: memref<18768xf32, #tpu.memory_space<vmem>>, %arg13: memref<300288xf32, #tpu.memory_space<vmem_shared>>, %arg14: memref<2x!tpu.dma_semaphore, #tpu.memory_space<semaphore_mem>>, %arg15: memref<2x!tpu.dma_semaphore, #tpu.memory_space<semaphore_mem>>) attributes {dimension_semantics = [#tpu.dimension_semantics<core_parallel>, #tpu.dimension_semantics<subcore_parallel>], iteration_bounds = array<i64: 2, 16>, scalar_prefetch = 0 : i64, scratch_operands = 10 : i64, tpu.core_type = #tpu.core_type<sc_vector_subcore>, window_params = [{transform_indices = #map}, {transform_indices = #map}, {transform_indices = #map}, {transform_indices = #map}]} {
    %mul3A = arith.constant 16 : i32
    %mul3A_0 = arith.muli %arg0, %mul3A : i32
    %add3A = arith.addi %mul3A_0, %arg1 : i32
    %mul3A_1 = arith.constant 18768 : i32
    %mul3A_2 = arith.muli %arg1, %mul3A_1 : i32
    "tpu.region"() ({
      %run_scoped3A = tpu.sem_alloc : memref<!tpu.dma_semaphore, #tpu.memory_space<semaphore_mem>>
      %dma_start3A_87 = tpu.memref_slice %arg4[%mul3A_2] : memref<300288xf32, #tpu.memory_space<hbm>> -> memref<18768xf32, #tpu.memory_space<hbm>>
      %dma_start3A_88 = tpu.memref_slice %arg4[%mul3A_2] : memref<300288xf32, #tpu.memory_space<hbm>> -> memref<18768xf32, #tpu.memory_space<hbm>>
      tpu.enqueue_dma source(%dma_start3A_88 : memref<18768xf32, #tpu.memory_space<hbm>>) target(%arg12 : memref<18768xf32, #tpu.memory_space<vmem>>) target_semaphore(%run_scoped3A : memref<!tpu.dma_semaphore, #tpu.memory_space<semaphore_mem>>)
      %dma_wait3A = tpu.memref_slice %arg4[%mul3A_2] : memref<300288xf32, #tpu.memory_space<hbm>> -> memref<18768xf32, #tpu.memory_space<hbm>>
      %dma_wait3A_89 = tpu.memref_slice %arg4[%mul3A_2] : memref<300288xf32, #tpu.memory_space<hbm>> -> memref<18768xf32, #tpu.memory_space<hbm>>
      tpu.wait_dma2 semaphore(%run_scoped3A : memref<!tpu.dma_semaphore, #tpu.memory_space<semaphore_mem>>) src(%dma_wait3A_89 : memref<18768xf32, #tpu.memory_space<hbm>>) dst(%arg12 : memref<18768xf32, #tpu.memory_space<vmem>>)
      tpu.yield
    }) : () -> ()
    "tpu.region"() ({
      %run_scoped3A = tpu.sem_alloc : memref<!tpu.dma_semaphore, #tpu.memory_space<semaphore_mem>>
      %dma_start3A_87 = tpu.memref_slice %arg13[%mul3A_2] : memref<300288xf32, #tpu.memory_space<vmem_shared>> -> memref<18768xf32, #tpu.memory_space<vmem_shared>>
      %dma_start3A_88 = tpu.memref_slice %arg13[%mul3A_2] : memref<300288xf32, #tpu.memory_space<vmem_shared>> -> memref<18768xf32, #tpu.memory_space<vmem_shared>>
      tpu.enqueue_dma source(%arg12 : memref<18768xf32, #tpu.memory_space<vmem>>) target(%dma_start3A_88 : memref<18768xf32, #tpu.memory_space<vmem_shared>>) target_semaphore(%run_scoped3A : memref<!tpu.dma_semaphore, #tpu.memory_space<semaphore_mem>>)
      %dma_wait3A = tpu.memref_slice %arg13[%mul3A_2] : memref<300288xf32, #tpu.memory_space<vmem_shared>> -> memref<18768xf32, #tpu.memory_space<vmem_shared>>
      %dma_wait3A_89 = tpu.memref_slice %arg13[%mul3A_2] : memref<300288xf32, #tpu.memory_space<vmem_shared>> -> memref<18768xf32, #tpu.memory_space<vmem_shared>>
      tpu.wait_dma2 semaphore(%run_scoped3A : memref<!tpu.dma_semaphore, #tpu.memory_space<semaphore_mem>>) src(%arg12 : memref<18768xf32, #tpu.memory_space<vmem>>) dst(%dma_wait3A_89 : memref<18768xf32, #tpu.memory_space<vmem_shared>>)
      tpu.yield
    }) : () -> ()
    %barrier3A = arith.constant 0 : index
    tpu.barrier barrier_id(%barrier3A)
    %lt3A = arith.constant 10 : i32
    %lt3A_3 = arith.cmpi slt, %add3A, %lt3A : i32
    %jit3A = arith.constant 196 : i32
    %jit3A_4 = arith.constant 195 : i32
    %select_n3A = arith.select %lt3A_3, %jit3A, %jit3A_4 : i32
    %mul3A_5 = arith.constant 195 : i32
    %mul3A_6 = arith.muli %add3A, %mul3A_5 : i32
    %min3A = arith.constant 10 : i32
    %min3A_7 = arith.minsi %add3A, %min3A : i32
    %add3A_8 = arith.addi %mul3A_6, %min3A_7 : i32
    %iota3A = tpu.iota {dimensions = array<i32: 0>} : vector<16xi32>
    %mul3A_9 = arith.constant 3 : i32
    %mul3A_10 = vector.broadcast %mul3A_9 : i32 to vector<16xi32>
    %mul3A_11 = arith.muli %iota3A, %mul3A_10 : vector<16xi32>
    %add3A_12 = arith.constant 0 : i32
    %add3A_13 = arith.addi %add3A_8, %add3A_12 : i32
    %mul3A_14 = arith.constant 1024 : i32
    %mul3A_15 = arith.muli %add3A_13, %mul3A_14 : i32
    %add3A_16 = arith.constant 0 : i32
    %add3A_17 = arith.addi %add3A_8, %add3A_16 : i32
    %mul3A_18 = arith.constant 3072 : i32
    %mul3A_19 = arith.muli %add3A_17, %mul3A_18 : i32
    %dma_start3A = arith.constant 0 : i32
    %dma_start3A_20 = tpu.memref_slice %arg3[%mul3A_15] : memref<6400000xi32, #tpu.memory_space<hbm>> -> memref<1024xi32, #tpu.memory_space<hbm>>
    %dma_start3A_21 = tpu.memref_slice %arg15[%dma_start3A] : memref<2x!tpu.dma_semaphore, #tpu.memory_space<semaphore_mem>> -> memref<1x!tpu.dma_semaphore, #tpu.memory_space<semaphore_mem>>
    %dma_start3A_22 = tpu.memref_squeeze %dma_start3A_21 : memref<1x!tpu.dma_semaphore, #tpu.memory_space<semaphore_mem>> -> memref<!tpu.dma_semaphore, #tpu.memory_space<semaphore_mem>>
    %dma_start3A_23 = tpu.memref_slice %arg3[%mul3A_15] : memref<6400000xi32, #tpu.memory_space<hbm>> -> memref<1024xi32, #tpu.memory_space<hbm>>
    tpu.enqueue_dma source(%dma_start3A_23 : memref<1024xi32, #tpu.memory_space<hbm>>) target(%arg8 : memref<1024xi32, #tpu.memory_space<vmem>>) target_semaphore(%dma_start3A_22 : memref<!tpu.dma_semaphore, #tpu.memory_space<semaphore_mem>>)
    %dma_start3A_24 = arith.constant 0 : i32
    %dma_start3A_25 = tpu.memref_slice %arg2[%mul3A_19] : memref<19200000xf32, #tpu.memory_space<hbm>> -> memref<3072xf32, #tpu.memory_space<hbm>>
    %dma_start3A_26 = tpu.memref_slice %arg14[%dma_start3A_24] : memref<2x!tpu.dma_semaphore, #tpu.memory_space<semaphore_mem>> -> memref<1x!tpu.dma_semaphore, #tpu.memory_space<semaphore_mem>>
    %dma_start3A_27 = tpu.memref_squeeze %dma_start3A_26 : memref<1x!tpu.dma_semaphore, #tpu.memory_space<semaphore_mem>> -> memref<!tpu.dma_semaphore, #tpu.memory_space<semaphore_mem>>
    %dma_start3A_28 = tpu.memref_slice %arg2[%mul3A_19] : memref<19200000xf32, #tpu.memory_space<hbm>> -> memref<3072xf32, #tpu.memory_space<hbm>>
    tpu.enqueue_dma source(%dma_start3A_28 : memref<3072xf32, #tpu.memory_space<hbm>>) target(%arg6 : memref<3072xf32, #tpu.memory_space<vmem>>) target_semaphore(%dma_start3A_27 : memref<!tpu.dma_semaphore, #tpu.memory_space<semaphore_mem>>)
    %jit3A_29 = arith.constant 2 : i32
    %div3A = arith.divsi %select_n3A, %jit3A_29 : i32
    %sign3A = arith.constant 0 : i32
    %sign3A_30 = arith.cmpi sgt, %select_n3A, %sign3A : i32
    %sign3A_31 = arith.extui %sign3A_30 : i1 to i32
    %sign3A_32 = arith.constant 0 : i32
    %sign3A_33 = arith.cmpi slt, %select_n3A, %sign3A_32 : i32
    %sign3A_34 = arith.extui %sign3A_33 : i1 to i32
    %sign3A_35 = arith.subi %sign3A_31, %sign3A_34 : i32
    %sign3A_36 = arith.constant 0 : i32
    %sign3A_37 = arith.cmpi sgt, %jit3A_29, %sign3A_36 : i32
    %sign3A_38 = arith.extui %sign3A_37 : i1 to i32
    %sign3A_39 = arith.constant 0 : i32
    %sign3A_40 = arith.cmpi slt, %jit3A_29, %sign3A_39 : i32
    %sign3A_41 = arith.extui %sign3A_40 : i1 to i32
    %sign3A_42 = arith.subi %sign3A_38, %sign3A_41 : i32
    %ne3A = arith.cmpi ne, %sign3A_35, %sign3A_42 : i32
    %rem3A = arith.remsi %select_n3A, %jit3A_29 : i32
    %ne3A_43 = arith.constant 0 : i32
    %ne3A_44 = arith.cmpi ne, %rem3A, %ne3A_43 : i32
    %and3A = arith.andi %ne3A, %ne3A_44 : i1
    %sub3A = arith.constant 1 : i32
    %sub3A_45 = arith.subi %div3A, %sub3A : i32
    %select_n3A_46 = arith.select %and3A, %sub3A_45, %div3A : i32
    %sub3A_47 = arith.constant 0 : i32
    %sub3A_48 = arith.subi %select_n3A_46, %sub3A_47 : i32
    %sub3A_49 = arith.constant 1 : i32
    %sub3A_50 = arith.constant 1 : i32
    %sub3A_51 = arith.subi %sub3A_49, %sub3A_50 : i32
    %add3A_52 = arith.addi %sub3A_48, %sub3A_51 : i32
    %div3A_53 = arith.constant 1 : i32
    %div3A_54 = arith.divsi %add3A_52, %div3A_53 : i32
    %while3A = arith.constant 1 : i32
    %while3A_55 = arith.constant 0 : i32
    %while3A_56 = arith.constant 0 : i32
    %while3A_57 = arith.subi %div3A_54, %while3A_56 : i32
    %while3A_58 = arith.addi %while3A_56, %while3A_57 : i32
    %while3A_59 = arith.constant 1 : i32
    %while3A_60 = arith.divsi %while3A_57, %while3A_59 : i32
    %while3A_61 = arith.muli %while3A_60, %while3A_59 : i32
    %while3A_62 = arith.addi %while3A_56, %while3A_61 : i32
    %while3A_63 = arith.constant 1 : i32
    scf.for %while3A_87 = %while3A_56 to %while3A_62 step %while3A_63  : i32 {
      %mul3A_88 = arith.muli %while3A_87, %while3A : i32
      %add3A_89 = arith.addi %while3A_55, %mul3A_88 : i32
      %mul3A_90 = arith.constant 2 : i32
      %mul3A_91 = arith.muli %mul3A_90, %add3A_89 : i32
      %add3A_92 = arith.constant 1 : i32
      %add3A_93 = arith.addi %mul3A_91, %add3A_92 : i32
      %add3A_94 = arith.addi %add3A_8, %add3A_93 : i32
      %mul3A_95 = arith.constant 1024 : i32
      %mul3A_96 = arith.muli %add3A_94, %mul3A_95 : i32
      %add3A_97 = arith.addi %add3A_8, %add3A_93 : i32
      %mul3A_98 = arith.constant 3072 : i32
      %mul3A_99 = arith.muli %add3A_97, %mul3A_98 : i32
      %dma_start3A_100 = arith.constant 1 : i32
      %dma_start3A_101 = tpu.memref_slice %arg3[%mul3A_96] : memref<6400000xi32, #tpu.memory_space<hbm>> -> memref<1024xi32, #tpu.memory_space<hbm>>
      %dma_start3A_102 = tpu.memref_slice %arg15[%dma_start3A_100] : memref<2x!tpu.dma_semaphore, #tpu.memory_space<semaphore_mem>> -> memref<1x!tpu.dma_semaphore, #tpu.memory_space<semaphore_mem>>
      %dma_start3A_103 = tpu.memref_squeeze %dma_start3A_102 : memref<1x!tpu.dma_semaphore, #tpu.memory_space<semaphore_mem>> -> memref<!tpu.dma_semaphore, #tpu.memory_space<semaphore_mem>>
      %dma_start3A_104 = tpu.memref_slice %arg3[%mul3A_96] : memref<6400000xi32, #tpu.memory_space<hbm>> -> memref<1024xi32, #tpu.memory_space<hbm>>
      tpu.enqueue_dma source(%dma_start3A_104 : memref<1024xi32, #tpu.memory_space<hbm>>) target(%arg9 : memref<1024xi32, #tpu.memory_space<vmem>>) target_semaphore(%dma_start3A_103 : memref<!tpu.dma_semaphore, #tpu.memory_space<semaphore_mem>>)
      %dma_start3A_105 = arith.constant 1 : i32
      %dma_start3A_106 = tpu.memref_slice %arg2[%mul3A_99] : memref<19200000xf32, #tpu.memory_space<hbm>> -> memref<3072xf32, #tpu.memory_space<hbm>>
      %dma_start3A_107 = tpu.memref_slice %arg14[%dma_start3A_105] : memref<2x!tpu.dma_semaphore, #tpu.memory_space<semaphore_mem>> -> memref<1x!tpu.dma_semaphore, #tpu.memory_space<semaphore_mem>>
      %dma_start3A_108 = tpu.memref_squeeze %dma_start3A_107 : memref<1x!tpu.dma_semaphore, #tpu.memory_space<semaphore_mem>> -> memref<!tpu.dma_semaphore, #tpu.memory_space<semaphore_mem>>
      %dma_start3A_109 = tpu.memref_slice %arg2[%mul3A_99] : memref<19200000xf32, #tpu.memory_space<hbm>> -> memref<3072xf32, #tpu.memory_space<hbm>>
      tpu.enqueue_dma source(%dma_start3A_109 : memref<3072xf32, #tpu.memory_space<hbm>>) target(%arg7 : memref<3072xf32, #tpu.memory_space<vmem>>) target_semaphore(%dma_start3A_108 : memref<!tpu.dma_semaphore, #tpu.memory_space<semaphore_mem>>)
      %add3A_110 = arith.addi %add3A_8, %mul3A_91 : i32
      %mul3A_111 = arith.constant 1024 : i32
      %mul3A_112 = arith.muli %add3A_110, %mul3A_111 : i32
      %add3A_113 = arith.addi %add3A_8, %mul3A_91 : i32
      %mul3A_114 = arith.constant 3072 : i32
      %mul3A_115 = arith.muli %add3A_113, %mul3A_114 : i32
      %dma_wait3A = arith.constant 0 : i32
      %dma_wait3A_116 = tpu.memref_slice %arg3[%mul3A_112] : memref<6400000xi32, #tpu.memory_space<hbm>> -> memref<1024xi32, #tpu.memory_space<hbm>>
      %dma_wait3A_117 = tpu.memref_slice %arg15[%dma_wait3A] : memref<2x!tpu.dma_semaphore, #tpu.memory_space<semaphore_mem>> -> memref<1x!tpu.dma_semaphore, #tpu.memory_space<semaphore_mem>>
      %dma_wait3A_118 = tpu.memref_squeeze %dma_wait3A_117 : memref<1x!tpu.dma_semaphore, #tpu.memory_space<semaphore_mem>> -> memref<!tpu.dma_semaphore, #tpu.memory_space<semaphore_mem>>
      %dma_wait3A_119 = tpu.memref_slice %arg3[%mul3A_112] : memref<6400000xi32, #tpu.memory_space<hbm>> -> memref<1024xi32, #tpu.memory_space<hbm>>
      tpu.wait_dma2 semaphore(%dma_wait3A_118 : memref<!tpu.dma_semaphore, #tpu.memory_space<semaphore_mem>>) src(%dma_wait3A_119 : memref<1024xi32, #tpu.memory_space<hbm>>) dst(%arg8 : memref<1024xi32, #tpu.memory_space<vmem>>)
      %dma_wait3A_120 = arith.constant 0 : i32
      %dma_wait3A_121 = tpu.memref_slice %arg2[%mul3A_115] : memref<19200000xf32, #tpu.memory_space<hbm>> -> memref<3072xf32, #tpu.memory_space<hbm>>
      %dma_wait3A_122 = tpu.memref_slice %arg14[%dma_wait3A_120] : memref<2x!tpu.dma_semaphore, #tpu.memory_space<semaphore_mem>> -> memref<1x!tpu.dma_semaphore, #tpu.memory_space<semaphore_mem>>
      %dma_wait3A_123 = tpu.memref_squeeze %dma_wait3A_122 : memref<1x!tpu.dma_semaphore, #tpu.memory_space<semaphore_mem>> -> memref<!tpu.dma_semaphore, #tpu.memory_space<semaphore_mem>>
      %dma_wait3A_124 = tpu.memref_slice %arg2[%mul3A_115] : memref<19200000xf32, #tpu.memory_space<hbm>> -> memref<3072xf32, #tpu.memory_space<hbm>>
      tpu.wait_dma2 semaphore(%dma_wait3A_123 : memref<!tpu.dma_semaphore, #tpu.memory_space<semaphore_mem>>) src(%dma_wait3A_124 : memref<3072xf32, #tpu.memory_space<hbm>>) dst(%arg6 : memref<3072xf32, #tpu.memory_space<vmem>>)
      %scan3A = arith.constant 0 : i32
      %scan3A_125 = arith.constant 64 : i32
      %scan3A_126 = arith.addi %scan3A, %scan3A_125 : i32
      %scan3A_127 = arith.constant 1 : i32
      scf.for %scan3A_158 = %scan3A to %scan3A_126 step %scan3A_127  : i32 {
        %mul3A_159 = arith.constant 1 : i32
        %mul3A_160 = arith.muli %scan3A_158, %mul3A_159 : i32
        %add3A_161 = arith.constant 0 : i32
        %add3A_162 = arith.addi %add3A_161, %mul3A_160 : i32
        %mul3A_163 = arith.constant 16 : i32
        %mul3A_164 = arith.muli %add3A_162, %mul3A_163 : i32
        %get3A = arith.index_cast %mul3A_164 : i32 to index
        %get3A_165 = tpu.vector_load %arg8[%get3A] {strides = array<i32>} : memref<1024xi32, #tpu.memory_space<vmem>>, vector<16xi32>,
        %mul3A_166 = arith.constant 3 : i32
        %mul3A_167 = vector.broadcast %mul3A_166 : i32 to vector<16xi32>
        %mul3A_168 = arith.muli %get3A_165, %mul3A_167 : vector<16xi32>
        %mul3A_169 = arith.constant 48 : i32
        %mul3A_170 = arith.muli %add3A_162, %mul3A_169 : i32
        %add3A_171 = arith.constant 0 : i32
        %add3A_172 = arith.addi %mul3A_170, %add3A_171 : i32
        %add3A_173 = vector.broadcast %add3A_172 : i32 to vector<16xi32>
        %add3A_174 = arith.addi %mul3A_11, %add3A_173 : vector<16xi32>
        %add3A_175 = arith.constant 0 : i32
        %add3A_176 = vector.broadcast %add3A_175 : i32 to vector<16xi32>
        %add3A_177 = arith.addi %mul3A_168, %add3A_176 : vector<16xi32>
        tpu.vector_store_idx %arg10[%add3A_174], %add3A_177 : memref<3072xi32, #tpu.memory_space<vmem>>[vector<16xi32>], vector<16xi32>,
        %add3A_178 = arith.constant 1 : i32
        %add3A_179 = arith.addi %mul3A_170, %add3A_178 : i32
        %add3A_180 = vector.broadcast %add3A_179 : i32 to vector<16xi32>
        %add3A_181 = arith.addi %mul3A_11, %add3A_180 : vector<16xi32>
        %add3A_182 = arith.constant 1 : i32
        %add3A_183 = vector.broadcast %add3A_182 : i32 to vector<16xi32>
        %add3A_184 = arith.addi %mul3A_168, %add3A_183 : vector<16xi32>
        tpu.vector_store_idx %arg10[%add3A_181], %add3A_184 : memref<3072xi32, #tpu.memory_space<vmem>>[vector<16xi32>], vector<16xi32>,
        %add3A_185 = arith.constant 2 : i32
        %add3A_186 = arith.addi %mul3A_170, %add3A_185 : i32
        %add3A_187 = vector.broadcast %add3A_186 : i32 to vector<16xi32>
        %add3A_188 = arith.addi %mul3A_11, %add3A_187 : vector<16xi32>
        %add3A_189 = arith.constant 2 : i32
        %add3A_190 = vector.broadcast %add3A_189 : i32 to vector<16xi32>
        %add3A_191 = arith.addi %mul3A_168, %add3A_190 : vector<16xi32>
        tpu.vector_store_idx %arg10[%add3A_188], %add3A_191 : memref<3072xi32, #tpu.memory_space<vmem>>[vector<16xi32>], vector<16xi32>,
      }
      %scan3A_128 = arith.constant 64 : i32
      "tpu.region"() ({
        %run_scoped3A = tpu.sem_alloc : memref<!tpu.dma_semaphore, #tpu.memory_space<semaphore_mem>>
        %dma_start3A_158 = arith.constant 0 : i32
        %dma_start3A_159 = tpu.memref_slice %arg13[%dma_start3A_158] : memref<300288xf32, #tpu.memory_space<vmem_shared>> -> memref<300288xf32, #tpu.memory_space<vmem_shared>>
        tpu.enqueue_indirect_dma source(%arg6 : memref<3072xf32, #tpu.memory_space<vmem>>) target(%dma_start3A_159 : memref<300288xf32, #tpu.memory_space<vmem_shared>>) offsets(%arg10 : memref<3072xi32, #tpu.memory_space<vmem>>) semaphore(%run_scoped3A : memref<!tpu.dma_semaphore, #tpu.memory_space<semaphore_mem>>) {add = true}
        %dma_wait3A_160 = arith.constant 0 : i32
        %dma_wait3A_161 = tpu.memref_slice %arg13[%dma_wait3A_160] : memref<300288xf32, #tpu.memory_space<vmem_shared>> -> memref<300288xf32, #tpu.memory_space<vmem_shared>>
        tpu.wait_indirect_dma semaphore(%run_scoped3A : memref<!tpu.dma_semaphore, #tpu.memory_space<semaphore_mem>>) src(%arg6 : memref<3072xf32, #tpu.memory_space<vmem>>) dst(%dma_wait3A_161 : memref<300288xf32, #tpu.memory_space<vmem_shared>>)
        tpu.yield
      }) : () -> ()
      %add3A_129 = arith.constant 2 : i32
      %add3A_130 = arith.addi %mul3A_91, %add3A_129 : i32
      %lt3A_131 = arith.cmpi slt, %add3A_130, %select_n3A : i32
      %convert_element_type3A_132 = arith.extui %lt3A_131 : i1 to i32
      %cond3A_133 = arith.constant 0 : i32
      %cond3A_134 = arith.cmpi ne, %convert_element_type3A_132, %cond3A_133 : i32
      scf.if %cond3A_134 {
        %add3A_158 = arith.constant 2 : i32
        %add3A_159 = arith.addi %mul3A_91, %add3A_158 : i32
        %add3A_160 = arith.addi %add3A_8, %add3A_159 : i32
        %mul3A_161 = arith.constant 1024 : i32
        %mul3A_162 = arith.muli %add3A_160, %mul3A_161 : i32
        %add3A_163 = arith.addi %add3A_8, %add3A_159 : i32
        %mul3A_164 = arith.constant 3072 : i32
        %mul3A_165 = arith.muli %add3A_163, %mul3A_164 : i32
        %dma_start3A_166 = arith.constant 0 : i32
        %dma_start3A_167 = tpu.memref_slice %arg3[%mul3A_162] : memref<6400000xi32, #tpu.memory_space<hbm>> -> memref<1024xi32, #tpu.memory_space<hbm>>
        %dma_start3A_168 = tpu.memref_slice %arg15[%dma_start3A_166] : memref<2x!tpu.dma_semaphore, #tpu.memory_space<semaphore_mem>> -> memref<1x!tpu.dma_semaphore, #tpu.memory_space<semaphore_mem>>
        %dma_start3A_169 = tpu.memref_squeeze %dma_start3A_168 : memref<1x!tpu.dma_semaphore, #tpu.memory_space<semaphore_mem>> -> memref<!tpu.dma_semaphore, #tpu.memory_space<semaphore_mem>>
        %dma_start3A_170 = tpu.memref_slice %arg3[%mul3A_162] : memref<6400000xi32, #tpu.memory_space<hbm>> -> memref<1024xi32, #tpu.memory_space<hbm>>
        tpu.enqueue_dma source(%dma_start3A_170 : memref<1024xi32, #tpu.memory_space<hbm>>) target(%arg8 : memref<1024xi32, #tpu.memory_space<vmem>>) target_semaphore(%dma_start3A_169 : memref<!tpu.dma_semaphore, #tpu.memory_space<semaphore_mem>>)
        %dma_start3A_171 = arith.constant 0 : i32
        %dma_start3A_172 = tpu.memref_slice %arg2[%mul3A_165] : memref<19200000xf32, #tpu.memory_space<hbm>> -> memref<3072xf32, #tpu.memory_space<hbm>>
        %dma_start3A_173 = tpu.memref_slice %arg14[%dma_start3A_171] : memref<2x!tpu.dma_semaphore, #tpu.memory_space<semaphore_mem>> -> memref<1x!tpu.dma_semaphore, #tpu.memory_space<semaphore_mem>>
        %dma_start3A_174 = tpu.memref_squeeze %dma_start3A_173 : memref<1x!tpu.dma_semaphore, #tpu.memory_space<semaphore_mem>> -> memref<!tpu.dma_semaphore, #tpu.memory_space<semaphore_mem>>
        %dma_start3A_175 = tpu.memref_slice %arg2[%mul3A_165] : memref<19200000xf32, #tpu.memory_space<hbm>> -> memref<3072xf32, #tpu.memory_space<hbm>>
        tpu.enqueue_dma source(%dma_start3A_175 : memref<3072xf32, #tpu.memory_space<hbm>>) target(%arg6 : memref<3072xf32, #tpu.memory_space<vmem>>) target_semaphore(%dma_start3A_174 : memref<!tpu.dma_semaphore, #tpu.memory_space<semaphore_mem>>)
      } else {
      }
      %add3A_135 = arith.constant 1 : i32
      %add3A_136 = arith.addi %mul3A_91, %add3A_135 : i32
      %add3A_137 = arith.addi %add3A_8, %add3A_136 : i32
      %mul3A_138 = arith.constant 1024 : i32
      %mul3A_139 = arith.muli %add3A_137, %mul3A_138 : i32
      %add3A_140 = arith.addi %add3A_8, %add3A_136 : i32
      %mul3A_141 = arith.constant 3072 : i32
      %mul3A_142 = arith.muli %add3A_140, %mul3A_141 : i32
      %dma_wait3A_143 = arith.constant 1 : i32
      %dma_wait3A_144 = tpu.memref_slice %arg3[%mul3A_139] : memref<6400000xi32, #tpu.memory_space<hbm>> -> memref<1024xi32, #tpu.memory_space<hbm>>
      %dma_wait3A_145 = tpu.memref_slice %arg15[%dma_wait3A_143] : memref<2x!tpu.dma_semaphore, #tpu.memory_space<semaphore_mem>> -> memref<1x!tpu.dma_semaphore, #tpu.memory_space<semaphore_mem>>
      %dma_wait3A_146 = tpu.memref_squeeze %dma_wait3A_145 : memref<1x!tpu.dma_semaphore, #tpu.memory_space<semaphore_mem>> -> memref<!tpu.dma_semaphore, #tpu.memory_space<semaphore_mem>>
      %dma_wait3A_147 = tpu.memref_slice %arg3[%mul3A_139] : memref<6400000xi32, #tpu.memory_space<hbm>> -> memref<1024xi32, #tpu.memory_space<hbm>>
      tpu.wait_dma2 semaphore(%dma_wait3A_146 : memref<!tpu.dma_semaphore, #tpu.memory_space<semaphore_mem>>) src(%dma_wait3A_147 : memref<1024xi32, #tpu.memory_space<hbm>>) dst(%arg9 : memref<1024xi32, #tpu.memory_space<vmem>>)
      %dma_wait3A_148 = arith.constant 1 : i32
      %dma_wait3A_149 = tpu.memref_slice %arg2[%mul3A_142] : memref<19200000xf32, #tpu.memory_space<hbm>> -> memref<3072xf32, #tpu.memory_space<hbm>>
      %dma_wait3A_150 = tpu.memref_slice %arg14[%dma_wait3A_148] : memref<2x!tpu.dma_semaphore, #tpu.memory_space<semaphore_mem>> -> memref<1x!tpu.dma_semaphore, #tpu.memory_space<semaphore_mem>>
      %dma_wait3A_151 = tpu.memref_squeeze %dma_wait3A_150 : memref<1x!tpu.dma_semaphore, #tpu.memory_space<semaphore_mem>> -> memref<!tpu.dma_semaphore, #tpu.memory_space<semaphore_mem>>
      %dma_wait3A_152 = tpu.memref_slice %arg2[%mul3A_142] : memref<19200000xf32, #tpu.memory_space<hbm>> -> memref<3072xf32, #tpu.memory_space<hbm>>
      tpu.wait_dma2 semaphore(%dma_wait3A_151 : memref<!tpu.dma_semaphore, #tpu.memory_space<semaphore_mem>>) src(%dma_wait3A_152 : memref<3072xf32, #tpu.memory_space<hbm>>) dst(%arg7 : memref<3072xf32, #tpu.memory_space<vmem>>)
      %scan3A_153 = arith.constant 0 : i32
      %scan3A_154 = arith.constant 64 : i32
      %scan3A_155 = arith.addi %scan3A_153, %scan3A_154 : i32
      %scan3A_156 = arith.constant 1 : i32
      scf.for %scan3A_158 = %scan3A_153 to %scan3A_155 step %scan3A_156  : i32 {
        %mul3A_159 = arith.constant 1 : i32
        %mul3A_160 = arith.muli %scan3A_158, %mul3A_159 : i32
        %add3A_161 = arith.constant 0 : i32
        %add3A_162 = arith.addi %add3A_161, %mul3A_160 : i32
        %mul3A_163 = arith.constant 16 : i32
        %mul3A_164 = arith.muli %add3A_162, %mul3A_163 : i32
        %get3A = arith.index_cast %mul3A_164 : i32 to index
        %get3A_165 = tpu.vector_load %arg9[%get3A] {strides = array<i32>} : memref<1024xi32, #tpu.memory_space<vmem>>, vector<16xi32>,
        %mul3A_166 = arith.constant 3 : i32
        %mul3A_167 = vector.broadcast %mul3A_166 : i32 to vector<16xi32>
        %mul3A_168 = arith.muli %get3A_165, %mul3A_167 : vector<16xi32>
        %mul3A_169 = arith.constant 48 : i32
        %mul3A_170 = arith.muli %add3A_162, %mul3A_169 : i32
        %add3A_171 = arith.constant 0 : i32
        %add3A_172 = arith.addi %mul3A_170, %add3A_171 : i32
        %add3A_173 = vector.broadcast %add3A_172 : i32 to vector<16xi32>
        %add3A_174 = arith.addi %mul3A_11, %add3A_173 : vector<16xi32>
        %add3A_175 = arith.constant 0 : i32
        %add3A_176 = vector.broadcast %add3A_175 : i32 to vector<16xi32>
        %add3A_177 = arith.addi %mul3A_168, %add3A_176 : vector<16xi32>
        tpu.vector_store_idx %arg11[%add3A_174], %add3A_177 : memref<3072xi32, #tpu.memory_space<vmem>>[vector<16xi32>], vector<16xi32>,
        %add3A_178 = arith.constant 1 : i32
        %add3A_179 = arith.addi %mul3A_170, %add3A_178 : i32
        %add3A_180 = vector.broadcast %add3A_179 : i32 to vector<16xi32>
        %add3A_181 = arith.addi %mul3A_11, %add3A_180 : vector<16xi32>
        %add3A_182 = arith.constant 1 : i32
        %add3A_183 = vector.broadcast %add3A_182 : i32 to vector<16xi32>
        %add3A_184 = arith.addi %mul3A_168, %add3A_183 : vector<16xi32>
        tpu.vector_store_idx %arg11[%add3A_181], %add3A_184 : memref<3072xi32, #tpu.memory_space<vmem>>[vector<16xi32>], vector<16xi32>,
        %add3A_185 = arith.constant 2 : i32
        %add3A_186 = arith.addi %mul3A_170, %add3A_185 : i32
        %add3A_187 = vector.broadcast %add3A_186 : i32 to vector<16xi32>
        %add3A_188 = arith.addi %mul3A_11, %add3A_187 : vector<16xi32>
        %add3A_189 = arith.constant 2 : i32
        %add3A_190 = vector.broadcast %add3A_189 : i32 to vector<16xi32>
        %add3A_191 = arith.addi %mul3A_168, %add3A_190 : vector<16xi32>
        tpu.vector_store_idx %arg11[%add3A_188], %add3A_191 : memref<3072xi32, #tpu.memory_space<vmem>>[vector<16xi32>], vector<16xi32>,
      }
      %scan3A_157 = arith.constant 64 : i32
      "tpu.region"() ({
        %run_scoped3A = tpu.sem_alloc : memref<!tpu.dma_semaphore, #tpu.memory_space<semaphore_mem>>
        %dma_start3A_158 = arith.constant 0 : i32
        %dma_start3A_159 = tpu.memref_slice %arg13[%dma_start3A_158] : memref<300288xf32, #tpu.memory_space<vmem_shared>> -> memref<300288xf32, #tpu.memory_space<vmem_shared>>
        tpu.enqueue_indirect_dma source(%arg7 : memref<3072xf32, #tpu.memory_space<vmem>>) target(%dma_start3A_159 : memref<300288xf32, #tpu.memory_space<vmem_shared>>) offsets(%arg11 : memref<3072xi32, #tpu.memory_space<vmem>>) semaphore(%run_scoped3A : memref<!tpu.dma_semaphore, #tpu.memory_space<semaphore_mem>>) {add = true}
        %dma_wait3A_160 = arith.constant 0 : i32
        %dma_wait3A_161 = tpu.memref_slice %arg13[%dma_wait3A_160] : memref<300288xf32, #tpu.memory_space<vmem_shared>> -> memref<300288xf32, #tpu.memory_space<vmem_shared>>
        tpu.wait_indirect_dma semaphore(%run_scoped3A : memref<!tpu.dma_semaphore, #tpu.memory_space<semaphore_mem>>) src(%arg7 : memref<3072xf32, #tpu.memory_space<vmem>>) dst(%dma_wait3A_161 : memref<300288xf32, #tpu.memory_space<vmem_shared>>)
        tpu.yield
      }) : () -> ()
    }
    %while3A_64 = arith.constant 1 : i32
    scf.for %while3A_87 = %while3A_62 to %while3A_58 step %while3A_64  : i32 {
      %mul3A_88 = arith.muli %while3A_87, %while3A : i32
      %add3A_89 = arith.addi %while3A_55, %mul3A_88 : i32
      %mul3A_90 = arith.constant 2 : i32
      %mul3A_91 = arith.muli %mul3A_90, %add3A_89 : i32
      %add3A_92 = arith.constant 1 : i32
      %add3A_93 = arith.addi %mul3A_91, %add3A_92 : i32
      %add3A_94 = arith.addi %add3A_8, %add3A_93 : i32
      %mul3A_95 = arith.constant 1024 : i32
      %mul3A_96 = arith.muli %add3A_94, %mul3A_95 : i32
      %add3A_97 = arith.addi %add3A_8, %add3A_93 : i32
      %mul3A_98 = arith.constant 3072 : i32
      %mul3A_99 = arith.muli %add3A_97, %mul3A_98 : i32
      %dma_start3A_100 = arith.constant 1 : i32
      %dma_start3A_101 = tpu.memref_slice %arg3[%mul3A_96] : memref<6400000xi32, #tpu.memory_space<hbm>> -> memref<1024xi32, #tpu.memory_space<hbm>>
      %dma_start3A_102 = tpu.memref_slice %arg15[%dma_start3A_100] : memref<2x!tpu.dma_semaphore, #tpu.memory_space<semaphore_mem>> -> memref<1x!tpu.dma_semaphore, #tpu.memory_space<semaphore_mem>>
      %dma_start3A_103 = tpu.memref_squeeze %dma_start3A_102 : memref<1x!tpu.dma_semaphore, #tpu.memory_space<semaphore_mem>> -> memref<!tpu.dma_semaphore, #tpu.memory_space<semaphore_mem>>
      %dma_start3A_104 = tpu.memref_slice %arg3[%mul3A_96] : memref<6400000xi32, #tpu.memory_space<hbm>> -> memref<1024xi32, #tpu.memory_space<hbm>>
      tpu.enqueue_dma source(%dma_start3A_104 : memref<1024xi32, #tpu.memory_space<hbm>>) target(%arg9 : memref<1024xi32, #tpu.memory_space<vmem>>) target_semaphore(%dma_start3A_103 : memref<!tpu.dma_semaphore, #tpu.memory_space<semaphore_mem>>)
      %dma_start3A_105 = arith.constant 1 : i32
      %dma_start3A_106 = tpu.memref_slice %arg2[%mul3A_99] : memref<19200000xf32, #tpu.memory_space<hbm>> -> memref<3072xf32, #tpu.memory_space<hbm>>
      %dma_start3A_107 = tpu.memref_slice %arg14[%dma_start3A_105] : memref<2x!tpu.dma_semaphore, #tpu.memory_space<semaphore_mem>> -> memref<1x!tpu.dma_semaphore, #tpu.memory_space<semaphore_mem>>
      %dma_start3A_108 = tpu.memref_squeeze %dma_start3A_107 : memref<1x!tpu.dma_semaphore, #tpu.memory_space<semaphore_mem>> -> memref<!tpu.dma_semaphore, #tpu.memory_space<semaphore_mem>>
      %dma_start3A_109 = tpu.memref_slice %arg2[%mul3A_99] : memref<19200000xf32, #tpu.memory_space<hbm>> -> memref<3072xf32, #tpu.memory_space<hbm>>
      tpu.enqueue_dma source(%dma_start3A_109 : memref<3072xf32, #tpu.memory_space<hbm>>) target(%arg7 : memref<3072xf32, #tpu.memory_space<vmem>>) target_semaphore(%dma_start3A_108 : memref<!tpu.dma_semaphore, #tpu.memory_space<semaphore_mem>>)
      %add3A_110 = arith.addi %add3A_8, %mul3A_91 : i32
      %mul3A_111 = arith.constant 1024 : i32
      %mul3A_112 = arith.muli %add3A_110, %mul3A_111 : i32
      %add3A_113 = arith.addi %add3A_8, %mul3A_91 : i32
      %mul3A_114 = arith.constant 3072 : i32
      %mul3A_115 = arith.muli %add3A_113, %mul3A_114 : i32
      %dma_wait3A = arith.constant 0 : i32
      %dma_wait3A_116 = tpu.memref_slice %arg3[%mul3A_112] : memref<6400000xi32, #tpu.memory_space<hbm>> -> memref<1024xi32, #tpu.memory_space<hbm>>
      %dma_wait3A_117 = tpu.memref_slice %arg15[%dma_wait3A] : memref<2x!tpu.dma_semaphore, #tpu.memory_space<semaphore_mem>> -> memref<1x!tpu.dma_semaphore, #tpu.memory_space<semaphore_mem>>
      %dma_wait3A_118 = tpu.memref_squeeze %dma_wait3A_117 : memref<1x!tpu.dma_semaphore, #tpu.memory_space<semaphore_mem>> -> memref<!tpu.dma_semaphore, #tpu.memory_space<semaphore_mem>>
      %dma_wait3A_119 = tpu.memref_slice %arg3[%mul3A_112] : memref<6400000xi32, #tpu.memory_space<hbm>> -> memref<1024xi32, #tpu.memory_space<hbm>>
      tpu.wait_dma2 semaphore(%dma_wait3A_118 : memref<!tpu.dma_semaphore, #tpu.memory_space<semaphore_mem>>) src(%dma_wait3A_119 : memref<1024xi32, #tpu.memory_space<hbm>>) dst(%arg8 : memref<1024xi32, #tpu.memory_space<vmem>>)
      %dma_wait3A_120 = arith.constant 0 : i32
      %dma_wait3A_121 = tpu.memref_slice %arg2[%mul3A_115] : memref<19200000xf32, #tpu.memory_space<hbm>> -> memref<3072xf32, #tpu.memory_space<hbm>>
      %dma_wait3A_122 = tpu.memref_slice %arg14[%dma_wait3A_120] : memref<2x!tpu.dma_semaphore, #tpu.memory_space<semaphore_mem>> -> memref<1x!tpu.dma_semaphore, #tpu.memory_space<semaphore_mem>>
      %dma_wait3A_123 = tpu.memref_squeeze %dma_wait3A_122 : memref<1x!tpu.dma_semaphore, #tpu.memory_space<semaphore_mem>> -> memref<!tpu.dma_semaphore, #tpu.memory_space<semaphore_mem>>
      %dma_wait3A_124 = tpu.memref_slice %arg2[%mul3A_115] : memref<19200000xf32, #tpu.memory_space<hbm>> -> memref<3072xf32, #tpu.memory_space<hbm>>
      tpu.wait_dma2 semaphore(%dma_wait3A_123 : memref<!tpu.dma_semaphore, #tpu.memory_space<semaphore_mem>>) src(%dma_wait3A_124 : memref<3072xf32, #tpu.memory_space<hbm>>) dst(%arg6 : memref<3072xf32, #tpu.memory_space<vmem>>)
      %scan3A = arith.constant 0 : i32
      %scan3A_125 = arith.constant 64 : i32
      %scan3A_126 = arith.addi %scan3A, %scan3A_125 : i32
      %scan3A_127 = arith.constant 1 : i32
      scf.for %scan3A_158 = %scan3A to %scan3A_126 step %scan3A_127  : i32 {
        %mul3A_159 = arith.constant 1 : i32
        %mul3A_160 = arith.muli %scan3A_158, %mul3A_159 : i32
        %add3A_161 = arith.constant 0 : i32
        %add3A_162 = arith.addi %add3A_161, %mul3A_160 : i32
        %mul3A_163 = arith.constant 16 : i32
        %mul3A_164 = arith.muli %add3A_162, %mul3A_163 : i32
        %get3A = arith.index_cast %mul3A_164 : i32 to index
        %get3A_165 = tpu.vector_load %arg8[%get3A] {strides = array<i32>} : memref<1024xi32, #tpu.memory_space<vmem>>, vector<16xi32>,
        %mul3A_166 = arith.constant 3 : i32
        %mul3A_167 = vector.broadcast %mul3A_166 : i32 to vector<16xi32>
        %mul3A_168 = arith.muli %get3A_165, %mul3A_167 : vector<16xi32>
        %mul3A_169 = arith.constant 48 : i32
        %mul3A_170 = arith.muli %add3A_162, %mul3A_169 : i32
        %add3A_171 = arith.constant 0 : i32
        %add3A_172 = arith.addi %mul3A_170, %add3A_171 : i32
        %add3A_173 = vector.broadcast %add3A_172 : i32 to vector<16xi32>
        %add3A_174 = arith.addi %mul3A_11, %add3A_173 : vector<16xi32>
        %add3A_175 = arith.constant 0 : i32
        %add3A_176 = vector.broadcast %add3A_175 : i32 to vector<16xi32>
        %add3A_177 = arith.addi %mul3A_168, %add3A_176 : vector<16xi32>
        tpu.vector_store_idx %arg10[%add3A_174], %add3A_177 : memref<3072xi32, #tpu.memory_space<vmem>>[vector<16xi32>], vector<16xi32>,
        %add3A_178 = arith.constant 1 : i32
        %add3A_179 = arith.addi %mul3A_170, %add3A_178 : i32
        %add3A_180 = vector.broadcast %add3A_179 : i32 to vector<16xi32>
        %add3A_181 = arith.addi %mul3A_11, %add3A_180 : vector<16xi32>
        %add3A_182 = arith.constant 1 : i32
        %add3A_183 = vector.broadcast %add3A_182 : i32 to vector<16xi32>
        %add3A_184 = arith.addi %mul3A_168, %add3A_183 : vector<16xi32>
        tpu.vector_store_idx %arg10[%add3A_181], %add3A_184 : memref<3072xi32, #tpu.memory_space<vmem>>[vector<16xi32>], vector<16xi32>,
        %add3A_185 = arith.constant 2 : i32
        %add3A_186 = arith.addi %mul3A_170, %add3A_185 : i32
        %add3A_187 = vector.broadcast %add3A_186 : i32 to vector<16xi32>
        %add3A_188 = arith.addi %mul3A_11, %add3A_187 : vector<16xi32>
        %add3A_189 = arith.constant 2 : i32
        %add3A_190 = vector.broadcast %add3A_189 : i32 to vector<16xi32>
        %add3A_191 = arith.addi %mul3A_168, %add3A_190 : vector<16xi32>
        tpu.vector_store_idx %arg10[%add3A_188], %add3A_191 : memref<3072xi32, #tpu.memory_space<vmem>>[vector<16xi32>], vector<16xi32>,
      }
      %scan3A_128 = arith.constant 64 : i32
      "tpu.region"() ({
        %run_scoped3A = tpu.sem_alloc : memref<!tpu.dma_semaphore, #tpu.memory_space<semaphore_mem>>
        %dma_start3A_158 = arith.constant 0 : i32
        %dma_start3A_159 = tpu.memref_slice %arg13[%dma_start3A_158] : memref<300288xf32, #tpu.memory_space<vmem_shared>> -> memref<300288xf32, #tpu.memory_space<vmem_shared>>
        tpu.enqueue_indirect_dma source(%arg6 : memref<3072xf32, #tpu.memory_space<vmem>>) target(%dma_start3A_159 : memref<300288xf32, #tpu.memory_space<vmem_shared>>) offsets(%arg10 : memref<3072xi32, #tpu.memory_space<vmem>>) semaphore(%run_scoped3A : memref<!tpu.dma_semaphore, #tpu.memory_space<semaphore_mem>>) {add = true}
        %dma_wait3A_160 = arith.constant 0 : i32
        %dma_wait3A_161 = tpu.memref_slice %arg13[%dma_wait3A_160] : memref<300288xf32, #tpu.memory_space<vmem_shared>> -> memref<300288xf32, #tpu.memory_space<vmem_shared>>
        tpu.wait_indirect_dma semaphore(%run_scoped3A : memref<!tpu.dma_semaphore, #tpu.memory_space<semaphore_mem>>) src(%arg6 : memref<3072xf32, #tpu.memory_space<vmem>>) dst(%dma_wait3A_161 : memref<300288xf32, #tpu.memory_space<vmem_shared>>)
        tpu.yield
      }) : () -> ()
      %add3A_129 = arith.constant 2 : i32
      %add3A_130 = arith.addi %mul3A_91, %add3A_129 : i32
      %lt3A_131 = arith.cmpi slt, %add3A_130, %select_n3A : i32
      %convert_element_type3A_132 = arith.extui %lt3A_131 : i1 to i32
      %cond3A_133 = arith.constant 0 : i32
      %cond3A_134 = arith.cmpi ne, %convert_element_type3A_132, %cond3A_133 : i32
      scf.if %cond3A_134 {
        %add3A_158 = arith.constant 2 : i32
        %add3A_159 = arith.addi %mul3A_91, %add3A_158 : i32
        %add3A_160 = arith.addi %add3A_8, %add3A_159 : i32
        %mul3A_161 = arith.constant 1024 : i32
        %mul3A_162 = arith.muli %add3A_160, %mul3A_161 : i32
        %add3A_163 = arith.addi %add3A_8, %add3A_159 : i32
        %mul3A_164 = arith.constant 3072 : i32
        %mul3A_165 = arith.muli %add3A_163, %mul3A_164 : i32
        %dma_start3A_166 = arith.constant 0 : i32
        %dma_start3A_167 = tpu.memref_slice %arg3[%mul3A_162] : memref<6400000xi32, #tpu.memory_space<hbm>> -> memref<1024xi32, #tpu.memory_space<hbm>>
        %dma_start3A_168 = tpu.memref_slice %arg15[%dma_start3A_166] : memref<2x!tpu.dma_semaphore, #tpu.memory_space<semaphore_mem>> -> memref<1x!tpu.dma_semaphore, #tpu.memory_space<semaphore_mem>>
        %dma_start3A_169 = tpu.memref_squeeze %dma_start3A_168 : memref<1x!tpu.dma_semaphore, #tpu.memory_space<semaphore_mem>> -> memref<!tpu.dma_semaphore, #tpu.memory_space<semaphore_mem>>
        %dma_start3A_170 = tpu.memref_slice %arg3[%mul3A_162] : memref<6400000xi32, #tpu.memory_space<hbm>> -> memref<1024xi32, #tpu.memory_space<hbm>>
        tpu.enqueue_dma source(%dma_start3A_170 : memref<1024xi32, #tpu.memory_space<hbm>>) target(%arg8 : memref<1024xi32, #tpu.memory_space<vmem>>) target_semaphore(%dma_start3A_169 : memref<!tpu.dma_semaphore, #tpu.memory_space<semaphore_mem>>)
        %dma_start3A_171 = arith.constant 0 : i32
        %dma_start3A_172 = tpu.memref_slice %arg2[%mul3A_165] : memref<19200000xf32, #tpu.memory_space<hbm>> -> memref<3072xf32, #tpu.memory_space<hbm>>
        %dma_start3A_173 = tpu.memref_slice %arg14[%dma_start3A_171] : memref<2x!tpu.dma_semaphore, #tpu.memory_space<semaphore_mem>> -> memref<1x!tpu.dma_semaphore, #tpu.memory_space<semaphore_mem>>
        %dma_start3A_174 = tpu.memref_squeeze %dma_start3A_173 : memref<1x!tpu.dma_semaphore, #tpu.memory_space<semaphore_mem>> -> memref<!tpu.dma_semaphore, #tpu.memory_space<semaphore_mem>>
        %dma_start3A_175 = tpu.memref_slice %arg2[%mul3A_165] : memref<19200000xf32, #tpu.memory_space<hbm>> -> memref<3072xf32, #tpu.memory_space<hbm>>
        tpu.enqueue_dma source(%dma_start3A_175 : memref<3072xf32, #tpu.memory_space<hbm>>) target(%arg6 : memref<3072xf32, #tpu.memory_space<vmem>>) target_semaphore(%dma_start3A_174 : memref<!tpu.dma_semaphore, #tpu.memory_space<semaphore_mem>>)
      } else {
      }
      %add3A_135 = arith.constant 1 : i32
      %add3A_136 = arith.addi %mul3A_91, %add3A_135 : i32
      %add3A_137 = arith.addi %add3A_8, %add3A_136 : i32
      %mul3A_138 = arith.constant 1024 : i32
      %mul3A_139 = arith.muli %add3A_137, %mul3A_138 : i32
      %add3A_140 = arith.addi %add3A_8, %add3A_136 : i32
      %mul3A_141 = arith.constant 3072 : i32
      %mul3A_142 = arith.muli %add3A_140, %mul3A_141 : i32
      %dma_wait3A_143 = arith.constant 1 : i32
      %dma_wait3A_144 = tpu.memref_slice %arg3[%mul3A_139] : memref<6400000xi32, #tpu.memory_space<hbm>> -> memref<1024xi32, #tpu.memory_space<hbm>>
      %dma_wait3A_145 = tpu.memref_slice %arg15[%dma_wait3A_143] : memref<2x!tpu.dma_semaphore, #tpu.memory_space<semaphore_mem>> -> memref<1x!tpu.dma_semaphore, #tpu.memory_space<semaphore_mem>>
      %dma_wait3A_146 = tpu.memref_squeeze %dma_wait3A_145 : memref<1x!tpu.dma_semaphore, #tpu.memory_space<semaphore_mem>> -> memref<!tpu.dma_semaphore, #tpu.memory_space<semaphore_mem>>
      %dma_wait3A_147 = tpu.memref_slice %arg3[%mul3A_139] : memref<6400000xi32, #tpu.memory_space<hbm>> -> memref<1024xi32, #tpu.memory_space<hbm>>
      tpu.wait_dma2 semaphore(%dma_wait3A_146 : memref<!tpu.dma_semaphore, #tpu.memory_space<semaphore_mem>>) src(%dma_wait3A_147 : memref<1024xi32, #tpu.memory_space<hbm>>) dst(%arg9 : memref<1024xi32, #tpu.memory_space<vmem>>)
      %dma_wait3A_148 = arith.constant 1 : i32
      %dma_wait3A_149 = tpu.memref_slice %arg2[%mul3A_142] : memref<19200000xf32, #tpu.memory_space<hbm>> -> memref<3072xf32, #tpu.memory_space<hbm>>
      %dma_wait3A_150 = tpu.memref_slice %arg14[%dma_wait3A_148] : memref<2x!tpu.dma_semaphore, #tpu.memory_space<semaphore_mem>> -> memref<1x!tpu.dma_semaphore, #tpu.memory_space<semaphore_mem>>
      %dma_wait3A_151 = tpu.memref_squeeze %dma_wait3A_150 : memref<1x!tpu.dma_semaphore, #tpu.memory_space<semaphore_mem>> -> memref<!tpu.dma_semaphore, #tpu.memory_space<semaphore_mem>>
      %dma_wait3A_152 = tpu.memref_slice %arg2[%mul3A_142] : memref<19200000xf32, #tpu.memory_space<hbm>> -> memref<3072xf32, #tpu.memory_space<hbm>>
      tpu.wait_dma2 semaphore(%dma_wait3A_151 : memref<!tpu.dma_semaphore, #tpu.memory_space<semaphore_mem>>) src(%dma_wait3A_152 : memref<3072xf32, #tpu.memory_space<hbm>>) dst(%arg7 : memref<3072xf32, #tpu.memory_space<vmem>>)
      %scan3A_153 = arith.constant 0 : i32
      %scan3A_154 = arith.constant 64 : i32
      %scan3A_155 = arith.addi %scan3A_153, %scan3A_154 : i32
      %scan3A_156 = arith.constant 1 : i32
      scf.for %scan3A_158 = %scan3A_153 to %scan3A_155 step %scan3A_156  : i32 {
        %mul3A_159 = arith.constant 1 : i32
        %mul3A_160 = arith.muli %scan3A_158, %mul3A_159 : i32
        %add3A_161 = arith.constant 0 : i32
        %add3A_162 = arith.addi %add3A_161, %mul3A_160 : i32
        %mul3A_163 = arith.constant 16 : i32
        %mul3A_164 = arith.muli %add3A_162, %mul3A_163 : i32
        %get3A = arith.index_cast %mul3A_164 : i32 to index
        %get3A_165 = tpu.vector_load %arg9[%get3A] {strides = array<i32>} : memref<1024xi32, #tpu.memory_space<vmem>>, vector<16xi32>,
        %mul3A_166 = arith.constant 3 : i32
        %mul3A_167 = vector.broadcast %mul3A_166 : i32 to vector<16xi32>
        %mul3A_168 = arith.muli %get3A_165, %mul3A_167 : vector<16xi32>
        %mul3A_169 = arith.constant 48 : i32
        %mul3A_170 = arith.muli %add3A_162, %mul3A_169 : i32
        %add3A_171 = arith.constant 0 : i32
        %add3A_172 = arith.addi %mul3A_170, %add3A_171 : i32
        %add3A_173 = vector.broadcast %add3A_172 : i32 to vector<16xi32>
        %add3A_174 = arith.addi %mul3A_11, %add3A_173 : vector<16xi32>
        %add3A_175 = arith.constant 0 : i32
        %add3A_176 = vector.broadcast %add3A_175 : i32 to vector<16xi32>
        %add3A_177 = arith.addi %mul3A_168, %add3A_176 : vector<16xi32>
        tpu.vector_store_idx %arg11[%add3A_174], %add3A_177 : memref<3072xi32, #tpu.memory_space<vmem>>[vector<16xi32>], vector<16xi32>,
        %add3A_178 = arith.constant 1 : i32
        %add3A_179 = arith.addi %mul3A_170, %add3A_178 : i32
        %add3A_180 = vector.broadcast %add3A_179 : i32 to vector<16xi32>
        %add3A_181 = arith.addi %mul3A_11, %add3A_180 : vector<16xi32>
        %add3A_182 = arith.constant 1 : i32
        %add3A_183 = vector.broadcast %add3A_182 : i32 to vector<16xi32>
        %add3A_184 = arith.addi %mul3A_168, %add3A_183 : vector<16xi32>
        tpu.vector_store_idx %arg11[%add3A_181], %add3A_184 : memref<3072xi32, #tpu.memory_space<vmem>>[vector<16xi32>], vector<16xi32>,
        %add3A_185 = arith.constant 2 : i32
        %add3A_186 = arith.addi %mul3A_170, %add3A_185 : i32
        %add3A_187 = vector.broadcast %add3A_186 : i32 to vector<16xi32>
        %add3A_188 = arith.addi %mul3A_11, %add3A_187 : vector<16xi32>
        %add3A_189 = arith.constant 2 : i32
        %add3A_190 = vector.broadcast %add3A_189 : i32 to vector<16xi32>
        %add3A_191 = arith.addi %mul3A_168, %add3A_190 : vector<16xi32>
        tpu.vector_store_idx %arg11[%add3A_188], %add3A_191 : memref<3072xi32, #tpu.memory_space<vmem>>[vector<16xi32>], vector<16xi32>,
      }
      %scan3A_157 = arith.constant 64 : i32
      "tpu.region"() ({
        %run_scoped3A = tpu.sem_alloc : memref<!tpu.dma_semaphore, #tpu.memory_space<semaphore_mem>>
        %dma_start3A_158 = arith.constant 0 : i32
        %dma_start3A_159 = tpu.memref_slice %arg13[%dma_start3A_158] : memref<300288xf32, #tpu.memory_space<vmem_shared>> -> memref<300288xf32, #tpu.memory_space<vmem_shared>>
        tpu.enqueue_indirect_dma source(%arg7 : memref<3072xf32, #tpu.memory_space<vmem>>) target(%dma_start3A_159 : memref<300288xf32, #tpu.memory_space<vmem_shared>>) offsets(%arg11 : memref<3072xi32, #tpu.memory_space<vmem>>) semaphore(%run_scoped3A : memref<!tpu.dma_semaphore, #tpu.memory_space<semaphore_mem>>) {add = true}
        %dma_wait3A_160 = arith.constant 0 : i32
        %dma_wait3A_161 = tpu.memref_slice %arg13[%dma_wait3A_160] : memref<300288xf32, #tpu.memory_space<vmem_shared>> -> memref<300288xf32, #tpu.memory_space<vmem_shared>>
        tpu.wait_indirect_dma semaphore(%run_scoped3A : memref<!tpu.dma_semaphore, #tpu.memory_space<semaphore_mem>>) src(%arg7 : memref<3072xf32, #tpu.memory_space<vmem>>) dst(%dma_wait3A_161 : memref<300288xf32, #tpu.memory_space<vmem_shared>>)
        tpu.yield
      }) : () -> ()
    }
    %jit3A_65 = arith.constant 2 : i32
    %eq3A = arith.constant 0 : i32
    %eq3A_66 = arith.cmpi eq, %jit3A_65, %eq3A : i32
    %jit3A_67 = arith.constant 1 : i32
    %select_n3A_68 = arith.select %eq3A_66, %jit3A_67, %jit3A_65 : i32
    %rem3A_69 = arith.remsi %select_n3A, %select_n3A_68 : i32
    %ne3A_70 = arith.constant 0 : i32
    %ne3A_71 = arith.cmpi ne, %rem3A_69, %ne3A_70 : i32
    %lt3A_72 = arith.constant 0 : i32
    %lt3A_73 = arith.cmpi slt, %rem3A_69, %lt3A_72 : i32
    %lt3A_74 = arith.constant 0 : i32
    %lt3A_75 = arith.cmpi slt, %select_n3A_68, %lt3A_74 : i32
    %ne3A_76 = arith.xori %lt3A_73, %lt3A_75 : i1
    %and3A_77 = arith.andi %ne3A_76, %ne3A_71 : i1
    %add3A_78 = arith.addi %rem3A_69, %select_n3A_68 : i32
    %select_n3A_79 = arith.select %and3A_77, %add3A_78, %rem3A_69 : i32
    %eq3A_80 = arith.constant 1 : i32
    %eq3A_81 = arith.cmpi eq, %select_n3A_79, %eq3A_80 : i32
    %convert_element_type3A = arith.extui %eq3A_81 : i1 to i32
    %cond3A = arith.constant 0 : i32
    %cond3A_82 = arith.cmpi ne, %convert_element_type3A, %cond3A : i32
    scf.if %cond3A_82 {
      %sub3A_87 = arith.constant 1 : i32
      %sub3A_88 = arith.subi %select_n3A, %sub3A_87 : i32
      %add3A_89 = arith.addi %add3A_8, %sub3A_88 : i32
      %mul3A_90 = arith.constant 1024 : i32
      %mul3A_91 = arith.muli %add3A_89, %mul3A_90 : i32
      %add3A_92 = arith.addi %add3A_8, %sub3A_88 : i32
      %mul3A_93 = arith.constant 3072 : i32
      %mul3A_94 = arith.muli %add3A_92, %mul3A_93 : i32
      %dma_wait3A = arith.constant 0 : i32
      %dma_wait3A_95 = tpu.memref_slice %arg3[%mul3A_91] : memref<6400000xi32, #tpu.memory_space<hbm>> -> memref<1024xi32, #tpu.memory_space<hbm>>
      %dma_wait3A_96 = tpu.memref_slice %arg15[%dma_wait3A] : memref<2x!tpu.dma_semaphore, #tpu.memory_space<semaphore_mem>> -> memref<1x!tpu.dma_semaphore, #tpu.memory_space<semaphore_mem>>
      %dma_wait3A_97 = tpu.memref_squeeze %dma_wait3A_96 : memref<1x!tpu.dma_semaphore, #tpu.memory_space<semaphore_mem>> -> memref<!tpu.dma_semaphore, #tpu.memory_space<semaphore_mem>>
      %dma_wait3A_98 = tpu.memref_slice %arg3[%mul3A_91] : memref<6400000xi32, #tpu.memory_space<hbm>> -> memref<1024xi32, #tpu.memory_space<hbm>>
      tpu.wait_dma2 semaphore(%dma_wait3A_97 : memref<!tpu.dma_semaphore, #tpu.memory_space<semaphore_mem>>) src(%dma_wait3A_98 : memref<1024xi32, #tpu.memory_space<hbm>>) dst(%arg8 : memref<1024xi32, #tpu.memory_space<vmem>>)
      %dma_wait3A_99 = arith.constant 0 : i32
      %dma_wait3A_100 = tpu.memref_slice %arg2[%mul3A_94] : memref<19200000xf32, #tpu.memory_space<hbm>> -> memref<3072xf32, #tpu.memory_space<hbm>>
      %dma_wait3A_101 = tpu.memref_slice %arg14[%dma_wait3A_99] : memref<2x!tpu.dma_semaphore, #tpu.memory_space<semaphore_mem>> -> memref<1x!tpu.dma_semaphore, #tpu.memory_space<semaphore_mem>>
      %dma_wait3A_102 = tpu.memref_squeeze %dma_wait3A_101 : memref<1x!tpu.dma_semaphore, #tpu.memory_space<semaphore_mem>> -> memref<!tpu.dma_semaphore, #tpu.memory_space<semaphore_mem>>
      %dma_wait3A_103 = tpu.memref_slice %arg2[%mul3A_94] : memref<19200000xf32, #tpu.memory_space<hbm>> -> memref<3072xf32, #tpu.memory_space<hbm>>
      tpu.wait_dma2 semaphore(%dma_wait3A_102 : memref<!tpu.dma_semaphore, #tpu.memory_space<semaphore_mem>>) src(%dma_wait3A_103 : memref<3072xf32, #tpu.memory_space<hbm>>) dst(%arg6 : memref<3072xf32, #tpu.memory_space<vmem>>)
      %scan3A = arith.constant 0 : i32
      %scan3A_104 = arith.constant 64 : i32
      %scan3A_105 = arith.addi %scan3A, %scan3A_104 : i32
      %scan3A_106 = arith.constant 1 : i32
      scf.for %scan3A_108 = %scan3A to %scan3A_105 step %scan3A_106  : i32 {
        %mul3A_109 = arith.constant 1 : i32
        %mul3A_110 = arith.muli %scan3A_108, %mul3A_109 : i32
        %add3A_111 = arith.constant 0 : i32
        %add3A_112 = arith.addi %add3A_111, %mul3A_110 : i32
        %mul3A_113 = arith.constant 16 : i32
        %mul3A_114 = arith.muli %add3A_112, %mul3A_113 : i32
        %get3A = arith.index_cast %mul3A_114 : i32 to index
        %get3A_115 = tpu.vector_load %arg8[%get3A] {strides = array<i32>} : memref<1024xi32, #tpu.memory_space<vmem>>, vector<16xi32>,
        %mul3A_116 = arith.constant 3 : i32
        %mul3A_117 = vector.broadcast %mul3A_116 : i32 to vector<16xi32>
        %mul3A_118 = arith.muli %get3A_115, %mul3A_117 : vector<16xi32>
        %mul3A_119 = arith.constant 48 : i32
        %mul3A_120 = arith.muli %add3A_112, %mul3A_119 : i32
        %add3A_121 = arith.constant 0 : i32
        %add3A_122 = arith.addi %mul3A_120, %add3A_121 : i32
        %add3A_123 = vector.broadcast %add3A_122 : i32 to vector<16xi32>
        %add3A_124 = arith.addi %mul3A_11, %add3A_123 : vector<16xi32>
        %add3A_125 = arith.constant 0 : i32
        %add3A_126 = vector.broadcast %add3A_125 : i32 to vector<16xi32>
        %add3A_127 = arith.addi %mul3A_118, %add3A_126 : vector<16xi32>
        tpu.vector_store_idx %arg10[%add3A_124], %add3A_127 : memref<3072xi32, #tpu.memory_space<vmem>>[vector<16xi32>], vector<16xi32>,
        %add3A_128 = arith.constant 1 : i32
        %add3A_129 = arith.addi %mul3A_120, %add3A_128 : i32
        %add3A_130 = vector.broadcast %add3A_129 : i32 to vector<16xi32>
        %add3A_131 = arith.addi %mul3A_11, %add3A_130 : vector<16xi32>
        %add3A_132 = arith.constant 1 : i32
        %add3A_133 = vector.broadcast %add3A_132 : i32 to vector<16xi32>
        %add3A_134 = arith.addi %mul3A_118, %add3A_133 : vector<16xi32>
        tpu.vector_store_idx %arg10[%add3A_131], %add3A_134 : memref<3072xi32, #tpu.memory_space<vmem>>[vector<16xi32>], vector<16xi32>,
        %add3A_135 = arith.constant 2 : i32
        %add3A_136 = arith.addi %mul3A_120, %add3A_135 : i32
        %add3A_137 = vector.broadcast %add3A_136 : i32 to vector<16xi32>
        %add3A_138 = arith.addi %mul3A_11, %add3A_137 : vector<16xi32>
        %add3A_139 = arith.constant 2 : i32
        %add3A_140 = vector.broadcast %add3A_139 : i32 to vector<16xi32>
        %add3A_141 = arith.addi %mul3A_118, %add3A_140 : vector<16xi32>
        tpu.vector_store_idx %arg10[%add3A_138], %add3A_141 : memref<3072xi32, #tpu.memory_space<vmem>>[vector<16xi32>], vector<16xi32>,
      }
      %scan3A_107 = arith.constant 64 : i32
      "tpu.region"() ({
        %run_scoped3A = tpu.sem_alloc : memref<!tpu.dma_semaphore, #tpu.memory_space<semaphore_mem>>
        %dma_start3A_108 = arith.constant 0 : i32
        %dma_start3A_109 = tpu.memref_slice %arg13[%dma_start3A_108] : memref<300288xf32, #tpu.memory_space<vmem_shared>> -> memref<300288xf32, #tpu.memory_space<vmem_shared>>
        tpu.enqueue_indirect_dma source(%arg6 : memref<3072xf32, #tpu.memory_space<vmem>>) target(%dma_start3A_109 : memref<300288xf32, #tpu.memory_space<vmem_shared>>) offsets(%arg10 : memref<3072xi32, #tpu.memory_space<vmem>>) semaphore(%run_scoped3A : memref<!tpu.dma_semaphore, #tpu.memory_space<semaphore_mem>>) {add = true}
        %dma_wait3A_110 = arith.constant 0 : i32
        %dma_wait3A_111 = tpu.memref_slice %arg13[%dma_wait3A_110] : memref<300288xf32, #tpu.memory_space<vmem_shared>> -> memref<300288xf32, #tpu.memory_space<vmem_shared>>
        tpu.wait_indirect_dma semaphore(%run_scoped3A : memref<!tpu.dma_semaphore, #tpu.memory_space<semaphore_mem>>) src(%arg6 : memref<3072xf32, #tpu.memory_space<vmem>>) dst(%dma_wait3A_111 : memref<300288xf32, #tpu.memory_space<vmem_shared>>)
        tpu.yield
      }) : () -> ()
    } else {
    }
    %barrier3A_83 = arith.constant 0 : index
    tpu.barrier barrier_id(%barrier3A_83)
    "tpu.region"() ({
      %run_scoped3A = tpu.sem_alloc : memref<!tpu.dma_semaphore, #tpu.memory_space<semaphore_mem>>
      %dma_start3A_87 = tpu.memref_slice %arg13[%mul3A_2] : memref<300288xf32, #tpu.memory_space<vmem_shared>> -> memref<18768xf32, #tpu.memory_space<vmem_shared>>
      %dma_start3A_88 = tpu.memref_slice %arg13[%mul3A_2] : memref<300288xf32, #tpu.memory_space<vmem_shared>> -> memref<18768xf32, #tpu.memory_space<vmem_shared>>
      tpu.enqueue_dma source(%dma_start3A_88 : memref<18768xf32, #tpu.memory_space<vmem_shared>>) target(%arg12 : memref<18768xf32, #tpu.memory_space<vmem>>) target_semaphore(%run_scoped3A : memref<!tpu.dma_semaphore, #tpu.memory_space<semaphore_mem>>)
      %dma_wait3A = tpu.memref_slice %arg13[%mul3A_2] : memref<300288xf32, #tpu.memory_space<vmem_shared>> -> memref<18768xf32, #tpu.memory_space<vmem_shared>>
      %dma_wait3A_89 = tpu.memref_slice %arg13[%mul3A_2] : memref<300288xf32, #tpu.memory_space<vmem_shared>> -> memref<18768xf32, #tpu.memory_space<vmem_shared>>
      tpu.wait_dma2 semaphore(%run_scoped3A : memref<!tpu.dma_semaphore, #tpu.memory_space<semaphore_mem>>) src(%dma_wait3A_89 : memref<18768xf32, #tpu.memory_space<vmem_shared>>) dst(%arg12 : memref<18768xf32, #tpu.memory_space<vmem>>)
      tpu.yield
    }) : () -> ()
    %mul3A_84 = arith.constant 300288 : i32
    %mul3A_85 = arith.muli %arg0, %mul3A_84 : i32
    %add3A_86 = arith.addi %mul3A_85, %mul3A_2 : i32
    "tpu.region"() ({
      %run_scoped3A = tpu.sem_alloc : memref<!tpu.dma_semaphore, #tpu.memory_space<semaphore_mem>>
      %dma_start3A_87 = tpu.memref_slice %arg5[%add3A_86] : memref<600576xf32, #tpu.memory_space<hbm>> -> memref<18768xf32, #tpu.memory_space<hbm>>
      %dma_start3A_88 = tpu.memref_slice %arg5[%add3A_86] : memref<600576xf32, #tpu.memory_space<hbm>> -> memref<18768xf32, #tpu.memory_space<hbm>>
      tpu.enqueue_dma source(%arg12 : memref<18768xf32, #tpu.memory_space<vmem>>) target(%dma_start3A_88 : memref<18768xf32, #tpu.memory_space<hbm>>) target_semaphore(%run_scoped3A : memref<!tpu.dma_semaphore, #tpu.memory_space<semaphore_mem>>)
      %dma_wait3A = tpu.memref_slice %arg5[%add3A_86] : memref<600576xf32, #tpu.memory_space<hbm>> -> memref<18768xf32, #tpu.memory_space<hbm>>
      %dma_wait3A_89 = tpu.memref_slice %arg5[%add3A_86] : memref<600576xf32, #tpu.memory_space<hbm>> -> memref<18768xf32, #tpu.memory_space<hbm>>
      tpu.wait_dma2 semaphore(%run_scoped3A : memref<!tpu.dma_semaphore, #tpu.memory_space<semaphore_mem>>) src(%arg12 : memref<18768xf32, #tpu.memory_space<vmem>>) dst(%dma_wait3A_89 : memref<18768xf32, #tpu.memory_space<hbm>>)
      tpu.yield
    }) : () -> ()
    return
  }
}

module attributes {stable_mosaic.version = 14 : i64} {
  func.func @_mul_body(%arg0: i32, %arg1: memref<4000x1xf32, #tpu.memory_space<vmem>>, %arg2: memref<4000x24xf32, #tpu.memory_space<vmem>>, %arg3: memref<4000x24xf32, #tpu.memory_space<vmem>>) attributes {dimension_semantics = [#tpu.dimension_semantics<arbitrary>], iteration_bounds = array<i64: 200>, scalar_prefetch = 0 : i64, scratch_operands = 0 : i64, tpu.core_type = #tpu.core_type<tc>, window_params = [{transform_indices = @transform_0, window_bounds = array<i64: 4000, 1>}, {transform_indices = @transform_1, window_bounds = array<i64: 4000, 24>}, {transform_indices = @transform_2, window_bounds = array<i64: 4000, 24>}]} {
    %get3A = arith.constant 0 : index
    %get3A_0 = arith.constant 0 : index
    %get3A_1 = vector.load %arg2[%get3A, %get3A_0] : memref<4000x24xf32, #tpu.memory_space<vmem>>, vector<4000x24xf32>
    %get3A_2 = arith.constant 0 : index
    %get3A_3 = arith.constant 0 : index
    %get3A_4 = vector.load %arg1[%get3A_2, %get3A_3] : memref<4000x1xf32, #tpu.memory_space<vmem>>, vector<4000x1xf32>
    %mul3A = vector.broadcast %get3A_4 : vector<4000x1xf32> to vector<4000x24xf32>
    %mul3A_5 = arith.mulf %get3A_1, %mul3A : vector<4000x24xf32>
    %swap3A = arith.constant 0 : index
    %swap3A_6 = arith.constant 0 : index
    %swap3A_7 = vector.load %arg3[%swap3A, %swap3A_6] : memref<4000x24xf32, #tpu.memory_space<vmem>>, vector<4000x24xf32>
    tpu.vector_store %arg3[%swap3A, %swap3A_6], %mul3A_5 {strides = array<i32>} : memref<4000x24xf32, #tpu.memory_space<vmem>>, vector<4000x24xf32>,
    return
  }
  func.func @transform_0(%arg0: i32) -> (i32, i32) {
    %c0_i32 = arith.constant 0 : i32
    %c0_i32_0 = arith.constant 0 : i32
    return %arg0, %c0_i32 : i32, i32
  }
  func.func @transform_1(%arg0: i32) -> (i32, i32) {
    %c0_i32 = arith.constant 0 : i32
    %c0_i32_0 = arith.constant 0 : i32
    return %arg0, %c0_i32 : i32, i32
  }
  func.func @transform_2(%arg0: i32) -> (i32, i32) {
    %c0_i32 = arith.constant 0 : i32
    %c0_i32_0 = arith.constant 0 : i32
    return %arg0, %c0_i32 : i32, i32
  }
}

module attributes {stable_mosaic.version = 14 : i64} {
  func.func @_add_body(%arg0: i32, %arg1: memref<2x2000x3xf32, #tpu.memory_space<vmem>>, %arg2: memref<2000x3xf32, #tpu.memory_space<vmem>>) attributes {dimension_semantics = [#tpu.dimension_semantics<arbitrary>], iteration_bounds = array<i64: 50>, scalar_prefetch = 0 : i64, scratch_operands = 0 : i64, tpu.core_type = #tpu.core_type<tc>, window_params = [{transform_indices = @transform_0, window_bounds = array<i64: 2, 2000, 3>}, {transform_indices = @transform_1, window_bounds = array<i64: 2000, 3>}]} {
    %get3A = arith.constant 0 : index
    %get3A_0 = arith.constant 0 : index
    %get3A_1 = arith.constant 0 : index
    %get3A_2 = vector.load %arg1[%get3A, %get3A_0, %get3A_1] : memref<2x2000x3xf32, #tpu.memory_space<vmem>>, vector<1x2000x3xf32>
    %get3A_3 = vector.shape_cast %get3A_2 : vector<1x2000x3xf32> to vector<2000x3xf32>
    %get3A_4 = arith.constant 1 : index
    %get3A_5 = arith.constant 0 : index
    %get3A_6 = arith.constant 0 : index
    %get3A_7 = vector.load %arg1[%get3A_4, %get3A_5, %get3A_6] : memref<2x2000x3xf32, #tpu.memory_space<vmem>>, vector<1x2000x3xf32>
    %get3A_8 = vector.shape_cast %get3A_7 : vector<1x2000x3xf32> to vector<2000x3xf32>
    %add3A = arith.addf %get3A_3, %get3A_8 : vector<2000x3xf32>
    %swap3A = arith.constant 0 : index
    %swap3A_9 = arith.constant 0 : index
    %swap3A_10 = vector.load %arg2[%swap3A, %swap3A_9] : memref<2000x3xf32, #tpu.memory_space<vmem>>, vector<2000x3xf32>
    tpu.vector_store %arg2[%swap3A, %swap3A_9], %add3A {strides = array<i32>} : memref<2000x3xf32, #tpu.memory_space<vmem>>, vector<2000x3xf32>,
    return
  }
  func.func @transform_0(%arg0: i32) -> (i32, i32, i32) {
    %c0_i32 = arith.constant 0 : i32
    %c0_i32_0 = arith.constant 0 : i32
    %c0_i32_1 = arith.constant 0 : i32
    return %c0_i32, %arg0, %c0_i32_0 : i32, i32, i32
  }
  func.func @transform_1(%arg0: i32) -> (i32, i32) {
    %c0_i32 = arith.constant 0 : i32
    %c0_i32_0 = arith.constant 0 : i32
    return %arg0, %c0_i32 : i32, i32
  }
}

</mosaic_0001>

<sc_bundles>
// kernel: kernel.5.cloned.1.call-start
scs
__scs_entry_jumppad:
0x0: {  	(pc) =	sbr.rel $0x88, $3  }
0x1: {  	(tag) =	ssettag $0x0;
	lr =	simm.s32 $0x1  }
0x2: {  	[smem:$0x3F9E] =	sst lr;
	_ =	strace $0xD0000000  }
0x3: {  	_ = 	snop  }
0x4: {  	_ = 	snop  }
0x5: {  	_ = 	snop  }
0x6: {  	_ = 	snop  }
0x7: {  	_ = 	snop  }
__scs_overlays_trampoline_lowered:
0x8: {  	[smem:$0x3FAD] =	sst s0  }
0x9: {  	[smem:$0x3FAE] =	sst s1  }
0xa: {  	[smem:$0x3FAF] =	sst s2  }
0xb: {  	[smem:$0x3FB0] =	sst s3  }
0xc: {  	[smem:$0x3FB1] =	sst s4  }
0xd: {  	[smem:$0x3FB2] =	sst s5  }
0xe: {  	[smem:$0x3FB3] =	sst s6  }
0xf: {  	[smem:$0x3FB4] =	sst s7  }
0x10: {  	[smem:$0x3FB5] =	sst s8  }
0x11: {  	[smem:$0x3FB6] =	sst s9;
	s0 =	simm.s32 @!p0 $0x0  }
0x12: {  	s1 =	sld [smem:$0x3F9C];
	s0 =	simm.s32 @p0 $0x1  }
0x13: {  	[smem:$0x3FB7] =	sst s0;
	s0 =	simm.s32 @!p1 $0x0  }
0x14: {  	s2 =	sld [smem:$0x3F9B];
	s0 =	simm.s32 @p1 $0x1  }
0x15: {  	[smem:$0x3FB8] =	sst s0;
	s0 =	simm.s32 @!p2 $0x0  }
0x16: {  	s3 =	sld [smem:$0x3FDB];
	s0 =	simm.s32 @p2 $0x1  }
0x17: {  	s4 =	simm.s32 $0x1BF5;
	[smem:$0x3FBA] =	sst s0  }
0x18: {  	s0 =	sld [smem:$0x3F9D];
	_ =	swait.ge [sflag:s4], $0x0  }
0x19: {  	s7 =	sld [smem:$0x3F9E]  }
0x1a: {  	s8 =	sadd.s32 $0xFFFFE003, lr  }
0x1b: {  	s9 =	sadd.s32 $0xFFFFFEF7, lr;
	s5 =	simm.s32 $0xFFFFFFFF;
	p2 =	slt.u32 s8, $0xFFFFF086  }
0x1c: {  	p1 =	slt.u32 s9, $0xF7A;
	s5 =	simm.s32 @!p2 $0x0  }
0x1d: {  	s5 =	simm.s32 @p1 $0x1;
	p0 =	seq.s32 s7, s2  }
0x1e: {  	s7 =	smul.u32 @!p0 $0xF7A, s2;
	p2 =	seq.s32 @!p0 s5, $0x0  }
0x1f: {  	s9 =	smul.u32 $0xF7A, s1;
	s8 =	simm.s32 @!p0 $0x1BF5;
	p2 =	por !p2, p0  }
0x20: {  	[sflag:s8] =	ssyncset.s32 @!p0 $0xFFFFF086;
	s6 =	sadd.s32 @!p0 s3, s7;
	s7 =	simm.s32 @!p0 $0x108  }
0x21: {  	s3 =	sadd.s32 s3, s9;
	s6 =	sadd.s32 @!p0 $0x88, s6;
	s7 =	simm.s32 @p2 $0x1082  }
0x22: {  	[simem:s7], [sflag:s8] =	dma.local @!p0 [hbm:s6], $0xF7A  }
0x23: {  	s9 =	sor.u32 $0xD0000000, s2;
	s6 =	simm.s32 $0x108;
	_ =	swait.ge @!p0 [sflag:s8], $0x0  }
0x24: {  	s3 =	sadd.s32 $0x88, s3;
	s6 =	simm.s32 @!p1 $0x1082;
	[sflag:s4] =	ssyncset.s32 $0xFFFFF086  }
0x25: {  	[simem:s6], [sflag:s4] =	dma.local [hbm:s3], $0xF7A  }
0x26: {  	[smem:$0x3F9E] =	sst s1;
	(tag) =	ssettag s2;
	_ =	strace s9  }
0x27: {  	s1 =	sld [smem:$0x3FAE]  }
0x28: {  	s2 =	sld [smem:$0x3FAF]  }
0x29: {  	s4 =	sld [smem:$0x3FB1]  }
0x2a: {  	p0 =	seq.s32 s5, $0x0;
	s5 =	sld [smem:$0x3FB2]  }
0x2b: {  	s6 =	sld [smem:$0x3FB3]  }
0x2c: {  	s7 =	sld [smem:$0x3FB4]  }
0x2d: {  	s3 =	simm.s32 $0x108;
	s8 =	sld [smem:$0x3FB5]  }
0x2e: {  	s3 =	simm.s32 @!p0 $0x1082;
	s9 =	sld [smem:$0x3FB6]  }
0x2f: {  	lr =	sadd.s32 s0, s3;
	s0 =	sld [smem:$0x3FAD]  }
0x30: {  	s3 =	sld [smem:$0x3FB0]  }
0x31: {  	[smem:$0x3FB9] =	sst s10  }
0x32: {  	s10 =	sld [smem:$0x3FB7];
	_ =	sdelay $0x3  }
0x33: {  	p0 =	seq.s32 s10, $0x1;
	s10 =	sld [smem:$0x3FB9];
	_ =	sdelay $0x3  }
0x34: {  	[smem:$0x3FB9] =	sst s10  }
0x35: {  	s10 =	sld [smem:$0x3FB8];
	_ =	sdelay $0x3  }
0x36: {  	p1 =	seq.s32 s10, $0x1;
	s10 =	sld [smem:$0x3FB9];
	_ =	sdelay $0x3  }
0x37: {  	[smem:$0x3FB9] =	sst s10  }
0x38: {  	s10 =	sld [smem:$0x3FBA]  }
0x39: {  	_ = 	snop;
	(pc) =	sbr.ind lr, $3  }
0x3a: {  	_ = 	snop  }
0x3b: {  	_ = 	snop  }
0x3c: {  	p2 =	seq.s32 s10, $0x1;
	s10 =	sld [smem:$0x3FB9]  }
0x3d: {  	_ =	shalt  }
0x3e: {  	_ =	shalt  }
0x3f: {  	_ =	shalt  }
0x40: {  	_ =	shalt  }
0x41: {  	_ =	shalt  }
0x42: {  	_ =	shalt  }
0x43: {  	_ =	shalt  }
0x44: {  	_ =	shalt  }
0x45: {  	_ =	shalt  }
0x46: {  	_ =	shalt  }
0x47: {  	_ =	shalt  }
0x48: {  	_ =	shalt  }
0x49: {  	_ =	shalt  }
0x4a: {  	_ =	shalt  }
0x4b: {  	_ =	shalt  }
0x4c: {  	_ =	shalt  }
0x4d: {  	_ =	shalt  }
0x4e: {  	_ =	shalt  }
0x4f: {  	_ =	shalt  }
0x50: {  	_ =	shalt  }
0x51: {  	_ =	shalt  }
0x52: {  	_ =	shalt  }
0x53: {  	_ =	shalt  }
0x54: {  	_ =	shalt  }
0x55: {  	_ =	shalt  }
0x56: {  	_ =	shalt  }
0x57: {  	_ =	shalt  }
0x58: {  	_ =	shalt  }
0x59: {  	_ =	shalt  }
0x5a: {  	_ =	shalt  }
0x5b: {  	_ =	shalt  }
0x5c: {  	_ =	shalt  }
0x5d: {  	_ =	shalt  }
0x5e: {  	_ =	shalt  }
0x5f: {  	_ =	shalt  }
0x60: {  	_ =	shalt  }
0x61: {  	_ =	shalt  }
0x62: {  	_ =	shalt  }
0x63: {  	_ =	shalt  }
0x64: {  	_ =	shalt  }
0x65: {  	_ =	shalt  }
0x66: {  	_ =	shalt  }
0x67: {  	_ =	shalt  }
0x68: {  	_ =	shalt  }
0x69: {  	_ =	shalt  }
0x6a: {  	_ =	shalt  }
0x6b: {  	_ =	shalt  }
0x6c: {  	_ =	shalt  }
0x6d: {  	_ =	shalt  }
0x6e: {  	_ =	shalt  }
0x6f: {  	_ =	shalt  }
0x70: {  	_ =	shalt  }
0x71: {  	_ =	shalt  }
0x72: {  	_ =	shalt  }
0x73: {  	_ =	shalt  }
0x74: {  	_ =	shalt  }
0x75: {  	_ =	shalt  }
0x76: {  	_ =	shalt  }
0x77: {  	_ =	shalt  }
0x78: {  	_ =	shalt  }
0x79: {  	_ =	shalt  }
0x7a: {  	_ =	shalt  }
0x7b: {  	_ =	shalt  }
0x7c: {  	_ =	shalt  }
0x7d: {  	_ =	shalt  }
0x7e: {  	_ =	shalt  }
0x7f: {  	_ =	shalt  }
0x80: {  	_ =	shalt  }
0x81: {  	_ =	shalt  }
0x82: {  	_ =	shalt  }
0x83: {  	_ =	shalt  }
0x84: {  	_ =	shalt  }
0x85: {  	_ =	shalt  }
0x86: {  	_ =	shalt  }
0x87: {  	_ =	shalt  }
.Lfunc_end0:
.L_simem_size_0:
called_computation_lowered:
.L_overlay_start_0:
0x88: {  	s2 =	sld [smem:$0x3FD9]  }
0x89: {  	s3 =	sld [smem:$0x3FFE];
	_ =	sdelay $0x1  }
0x8a: {  	s1 =	srdreg.scid  }
0x8b: {  	s0 =	sand.u32 $0x1, s1  }
0x8c: {  	s17 =	sshll.u32 s0, $0xA;
	s2 =	sadd.s32 s3, s2  }
0x8d: {  	s2 =	sadd.s32 s2, s17  }
0x8e: {  	[smem:$0x3FC5] =	sst s2  }
0x8f: {  	_ = 	snop  }
0x90: {  	s2 =	sld [smem:$0x3FD0];
	(tm) =	ssettm $0x1  }
0x91: {  	s18 =	sld [smem:$0x3FFB];
	_ =	sdelay $0x3  }
0x92: {  	_ =	strace s18  }
0x93: {  	s3 =	sld [smem:$0x3FFC];
	_ =	sdelay $0x3  }
0x94: {  	_ =	strace s3  }
0x95: {  	s3 =	sld [smem:$0x3FFD];
	_ =	sdelay $0x3  }
0x96: {  	_ =	strace s3  }
0x97: {  	_ =	strace $0x8FFFFFFF  }
0x98: {  	s19 =	sld [smem:$0x3FDB];
	_ =	sdelay $0x1  }
0x99: {  	s4 =	simm.s32 $_scs_section_size  }
0x9a: {  	s5 =	simm.s32 $_size__tile_overlayer_lowered;
	s6 =	simm.s32 $_tile_overlayer_lowered  }
0x9b: {  	s22 =	simm.s32 $0x1BFF;
	s21 =	sshll.u32 s6, $0x1;
	s3 =	sadd.s32 s4, s19  }
0x9c: {  	s7 =	simm.s32 $0x0;
	s20 =	sshll.u32 s5, $0x1;
	s5 =	sadd.s32 s21, s3  }
0x9d: {  	[timem:s7], [sflag:s22] =	dma.local [hbm:s5], s20  }
0x9e: {  	_ =	swait.ge [sflag:s22], s20  }
0x9f: {  	s4 =	ssub.s32 $0x0, s20;
	[sflag:s22] =	ssyncset.done $0x0  }
0xa0: {  	[sflag:s22] =	ssyncadd.s32 s4;
	_ =	sdelay $0x1  }
0xa1: {  	s23 =	simm.s32 $0x1B8B  }
0xa2: {  	_ =	swait.ge [sflag:s23], $0x1  }
0xa3: {  	[sflag:s23] =	ssyncset.done $0x0  }
0xa4: {  	s25 =	simm.s32 $0x1B8E;
	s24 =	sld [smem:$0x3FFE];
	[sflag:s23] =	ssyncadd.s32 $0xFFFFFFFF  }
0xa5: {  	s26 =	simm.s32 $execute0_lowered;
	[smem:$0x3FD2] =	sst s25  }
0xa6: {  	s5 =	sshll.u32 s26, $0x1;
	_ =	strace $0x80000046;
	[dreg:$0x1] =	wrdreg $0xFFFFFFFF  }
0xa7: {  	s28 =	simm.s32 $_size_execute0_lowered;
	s3 =	sadd.s32 s3, s5;
	[dreg:$0x0] =	wrdreg $0x0  }
0xa8: {  	s5 =	sshll.u32 s28, $0x1;
	[dreg:$0x2] =	wrdreg s3  }
0xa9: {  	[dreg:$0x3] =	wrdreg s5  }
0xaa: {  	[dreg:$0x4] =	wrdreg $0xC0  }
0xab: {  	_ =	task [dreg:s7], $0x5FFFF  }
0xac: {  	[dreg:$0x1] =	wrdreg $0xFFFFFFFF  }
0xad: {  	[dreg:$0x0] =	wrdreg $0x60  }
0xae: {  	[dreg:$0x2] =	wrdreg s24  }
0xaf: {  	[dreg:$0x3] =	wrdreg s2  }
0xb0: {  	[dreg:$0x4] =	wrdreg $0x81800  }
0xb1: {  	[dreg:$0x5] =	wrdreg $0x9  }
0xb2: {  	_ =	task.clear_ibuf [dreg:s7], $0x6FFFF;
	_ =	strace $0x90000046  }
0xb3: {  	s29 =	simm.s32 $0x9;
	_ =	strace $0x80000048  }
0xb4: {  	_ =	swait.ge [sflag:s29], $0x1  }
0xb5: {  	[sflag:s29] =	ssyncadd.s32 $0xFFFFFFFF  }
0xb6: {  	_ =	strace $0x90000048  }
0xb7: {  	_ =	sfence  }
0xb8: {  	s30 =	sld [smem:$0x0];
	_ =	sdelay $0x2  }
0xb9: {  	s31 =	sshll.u32 s1, $0xD;
	s1 =	sshrl.u32 s1, $0x2  }
0xba: {  	s3 =	sand.u32 $0x4000, s31;
	s1 =	sadd.s32 s1, s30  }
0xbb: {  	s0 =	sor.u32 s3, s0;
	s1 =	sshll.u32 s1, $0x11  }
0xbc: {  	s0 =	sor.u32 s1, s0  }
0xbd: {  	s0 =	sadd.s32 $0x8F2B, s0  }
0xbe: {  	[sflag:s0] =	ssyncadd.remote.s32 $0x1  }
0xbf: {  	_ =	sfence.sel $0xFFFF  }
0xc0: {  	[dreg:$0x0] =	wrdreg $0xFFFFFFFF;
	(pc) =	sbr.abs _section_cstart, $3  }
0xc1: {  	[dreg:$0x1] =	wrdreg $0xFFFFFFFF  }
0xc2: {  	_ =	task.clear_ibuf [dreg:s7], $0x2FFFF;
	_ =	strace $0x9FFFFFFF  }
0xc3: {  	(tm) =	ssettm $0x7FFFFFFF  }
tec
execute0_lowered:
.L_overlay_start_1:
0x0: {  	(tag) =	ssettag $0x1  }
0x1: {  	s0 =	rddreg [dreg:$0x0]  }
0x2: {  	s6 =	rddreg [dreg:$0x1]  }
0x3: {  	s2 =	rddreg [dreg:$0x2]  }
0x4: {  	s4 =	srdreg.scid;
	s1 =	stileid.u32;
	s3 =	simm.s32 $0x0  }
0x5: {  	s15 =	simm.s32 $0x3800;
	s16 =	simm.s32 $0x5;
	s17 =	simm.s32 $0x1800  }
0x6: {  	s18 =	simm.s32 $0x1C00;
	s19 =	simm.s32 $0xC00;
	s20 =	simm.s32 $0x3  }
0x7: {  	s21 =	simm.s32 $0x1;
	s22 =	simm.s32 $0x2000;
	s23 =	simm.s32 $0x4  }
0x8: {  	s24 =	simm.s32 $0x2C00;
	s7 =	sand.u32 $0x1, s4;
	s9 =	smul.u32 $0x4950, s1  }
0x9: {  	[smem:$0x7FF] =	sst s3;
	s4 =	sadd.s32 $0x800, s0;
	s5 =	smul.u32 $0x49500, s7  }
0xa: {  	_ =	strace $0x80000047;
	s10 =	sshll.u32 s7, $0x4;
	s7 =	ssub.s32 $0x2, s7  }
0xb: {  	s10 =	sor.u32 s1, s10;
	s11 =	sshrl.u32 s7, $0x1;
	s12 =	sshrl.u32 s9, $0x3  }
0xc: {  	s8 =	sadd.s32 s9, s5;
	s5 =	sadd.s32 $0xE7F800, s0;
	s29 =	smul.u32 $0xC3, s10  }
0xd: {  	s13 =	smin.u32 s10, $0xA;
	s14 =	ssub.s32 s7, s11;
	s6 =	sadd.s32 s6, s12  }
0xe: {  	p0 =	slt.u32 s10, $0xA;
	s9 =	sadd.s32 s9, s2;
	s8 =	sshrl.u32 s8, $0x3  }
.Ltmp0:
0xf: {  	s14 =	smax.u32 s14, $0x1;
	s7 =	sadd.s32 s13, s29;
	(pc) =	sbr.rel .LBB2_1-.Ltmp0, $4  }
0x10: {  	s0 =	sadd.s32 s8, s0;
	s8 =	simm.s32 $0xC4;
	s30 =	smul.u32 $0x180, s7  }
0x11: {  	v0 =	vlaneseq.u32;
	s8 =	simm.s32 @!p0 $0xC3;
	s31 =	sshll.u32 s7, $0x7;
	s13 =	sadd.s32 $0x24A800, s0  }
0x12: {  	v0 =	vmul.u32 $0x3, v0;
	s10 =	sadd.s32 s5, s31;
	s12 =	sshrl.u32 s8, $0x1;
	s25 =	sand.u32 $0x1, s8  }
0x13: {  	s11 =	sadd.s32 s4, s30;
	p0 =	seq.s32 s25, $0x0;
	s25 =	simm.s32 $0x0  }
.LBB2_11:
0x14: {  	[bflag:$0x0] =	sbarrier.arrive $0xFFFF  }
0x15: {  	[tilespmem:s15], [sflag:$0x5] =	stream.linear.gather [spmem:s9], $0x4950, $0x38;
	[tilespmem:$0xCAD0] =	vst v63  }
0x16: {  	s25 =	sadd.s32 $0x1, s25;
	_ =	swait.ge [sflag:s16], $0x4950  }
0x17: {  	p1 =	sne.s32 s25, s14;
	[sflag:s16] =	ssyncset.done $0x0  }
.Ltmp1:
0x18: {  	[sflag:s16] =	ssyncadd.s32 $0xFFFFB6B0;
	(pc) =	sbr.rel @!p1 .LBB2_12-.Ltmp1, $4  }
0x19: {  	[hbm4b:s13+s3] =	stream.linear.scatter [tilespmem:s15], [sflag:$0x5], $0x4950, $0x38;
	[tilespmem:$0xCAD0] =	vst v63  }
0x1a: {  	_ =	swait.ge [sflag:s16], $0x4950  }
0x1b: {  	[sflag:s16] =	ssyncset.done $0x0  }
0x1c: {  	[sflag:s16] =	ssyncadd.s32 $0xFFFFB6B0  }
.LBB2_1:
0x1d: {  	[tilespmem:s15], [sflag:$0x5] =	stream.linear.gather [hbm4b:s6+s3], $0x4950, $0x38;
	[tilespmem:$0xCAD0] =	vst v63  }
0x1e: {  	_ =	swait.ge [sflag:s16], $0x4950  }
0x1f: {  	[sflag:s16] =	ssyncset.done $0x0  }
0x20: {  	[sflag:s16] =	ssyncadd.s32 $0xFFFFB6B0  }
0x21: {  	[spmem:s9] =	stream.linear.scatter [tilespmem:s15], [sflag:$0x5], $0x4950, $0x38;
	[tilespmem:$0xCAD0] =	vst v63  }
0x22: {  	_ =	swait.ge [sflag:s16], $0x4950  }
0x23: {  	[sflag:s16] =	ssyncset.done $0x0  }
0x24: {  	[sflag:s16] =	ssyncadd.s32 $0xFFFFB6B0  }
0x25: {  	[bflag:$0x0] =	sbarrier.arrive $0xFFFF  }
0x26: {  	[tilespmem:s17], [sflag:$0x3] =	stream.linear.gather [hbm4b:s10+s3], $0x400, $0x38;
	[tilespmem:$0xCAD0] =	vst v63  }
0x27: {  	s26 =	simm.s32 $0x0  }
0x28: {  	[tilespmem:s3], [sflag:$0x1] =	stream.linear.gather [hbm4b:s11+s3], $0xC00, $0x38;
	[tilespmem:$0xCAD0] =	vst v63  }
.LBB2_2:
0x29: {  	s28 =	sshll.u32 s26, $0x1  }
0x2a: {  	s0 =	sadd.s32 s28, s7  }
0x2b: {  	s0 =	sadd.s32 $0x1, s0  }
0x2c: {  	s29 =	sshll.u32 s0, $0x7  }
0x2d: {  	s29 =	sand.u32 $0x1FFFFF80, s29  }
0x2e: {  	s0 =	smul.u32 $0x180, s0;
	s29 =	sadd.s32 s5, s29  }
0x2f: {  	[tilespmem:s18], [sflag:$0x4] =	stream.linear.gather [hbm4b:s29+s3], $0x400, $0x38;
	[tilespmem:$0xCAD0] =	vst v63  }
0x30: {  	s0 =	sadd.s32 s4, s0  }
0x31: {  	[tilespmem:s19], [sflag:$0x2] =	stream.linear.gather [hbm4b:s0+s3], $0xC00, $0x38;
	[tilespmem:$0xCAD0] =	vst v63  }
0x32: {  	_ =	swait.ge [sflag:s20], $0x400  }
0x33: {  	[sflag:s20] =	ssyncset.done $0x0  }
0x34: {  	[sflag:s20] =	ssyncadd.s32 $0xFFFFFC00  }
0x35: {  	_ =	swait.ge [sflag:s21], $0xC00  }
0x36: {  	[sflag:s21] =	ssyncset.done $0x0  }
0x37: {  	s30 =	simm.s32 $0x1800;
	[sflag:s21] =	ssyncadd.s32 $0xFFFFF400  }
0x38: {  	v1 =	vld [tilespmem:s30+$0x0]  }
0x39: {  	s31 =	simm.s32 $0x32;
	s29 =	simm.s32 $0x2;
	s0 =	simm.s32 $0x0  }
.LBB2_3:
0x3a: {  	p1 =	sne.s32 s31, $0xBD2;
	v2 =	vadd.s32 s0, v0;
	s0 =	sadd.s32 $0xFFFFFFFF, s29  }
0x3b: {  	v3 =	vadd.s32 s0, v0  }
0x3c: {  	v4 =	vadd.s32 s29, v0;
	s29 =	smov.u32 s31  }
0x3d: {  	v1 =	vmul.u32 $0x3, v1;
	_ =	sdelay $0x1  }
.Ltmp2:
0x3e: {  	[tilespmem:v2+s22+$0x0] =	vst.idx.msk $0xffff, v1;
	v2 =	vadd.s32 $0x1, v1;
	(pc) =	sbr.rel @p1 .LBB2_3-.Ltmp2, $4  }
0x3f: {  	v1 =	vadd.s32 $0x2, v1;
	[tilespmem:v3+s22+$0x0] =	vst.idx.msk $0xffff, v2  }
0x40: {  	s30 =	sadd.s32 $0x10, s30;
	[tilespmem:v4+s22+$0x0] =	vst.idx.msk $0xffff, v1  }
0x41: {  	v1 =	vld [tilespmem:s30+$0x0]  }
0x42: {  	s31 =	sadd.s32 $0x30, s31;
	s0 =	sadd.s32 $0xFFFFFFFE, s29  }
0x43: {  	v2 =	vadd.s32 s0, v0;
	s31 =	sadd.s32 $0xFFFFFFFF, s29  }
0x44: {  	v3 =	vadd.s32 s31, v0  }
0x45: {  	v4 =	vadd.s32 s29, v0  }
0x46: {  	v1 =	vmul.u32 $0x3, v1;
	_ =	sdelay $0x1  }
0x47: {  	s0 =	sadd.s32 $0x2, s28;
	[tilespmem:v2+s22+$0x0] =	vst.idx.msk $0xffff, v1;
	v2 =	vadd.s32 $0x1, v1  }
0x48: {  	p1 =	sge.u32 s0, s8;
	v1 =	vadd.s32 $0x2, v1;
	[tilespmem:v3+s22+$0x0] =	vst.idx.msk $0xffff, v2  }
0x49: {  	s0 =	sadd.s32 @!p1 s7, s0;
	[tilespmem:v4+s22+$0x0] =	vst.idx.msk $0xffff, v1  }
0x4a: {  	[spmem:s2] =	stream.indirect.scatter.add.f32 [tilespmem:s3], [sflag:$0x5], $0x1, s22, s19, $0xb8;
	[tilespmem:$0xCAD0] =	vst v63  }
0x4b: {  	s29 =	simm.s32 @!p1 $0x0;
	s28 =	sshll.u32 @!p1 s0, $0x7;
	_ =	swait.ge [sflag:s16], $0xC00  }
0x4c: {  	s30 =	simm.s32 @!p1 $0x1800;
	s28 =	sand.u32 @!p1 $0x1FFFFF80, s28;
	[sflag:s16] =	ssyncset.done $0x0  }
0x4d: {  	s0 =	smul.u32 @!p1 $0x180, s0;
	s28 =	sadd.s32 @!p1 s5, s28;
	[sflag:s16] =	ssyncadd.s32 $0xFFFFF400  }
0x4e: {  	[tilespmem:s30], [sflag:$0x3] =	stream.linear.gather @!p1 [hbm4b:s28+s29], $0x400, $0x38;
	[tilespmem:$0xCAD0] =	vst v63  }
0x4f: {  	s0 =	sadd.s32 @!p1 s4, s0  }
0x50: {  	[tilespmem:s29], [sflag:$0x1] =	stream.linear.gather @!p1 [hbm4b:s0+s29], $0xC00, $0x38;
	[tilespmem:$0xCAD0] =	vst v63  }
0x51: {  	_ =	swait.ge [sflag:s23], $0x400  }
0x52: {  	[sflag:s23] =	ssyncset.done $0x0  }
0x53: {  	s28 =	simm.s32 $0x2;
	[sflag:s23] =	ssyncadd.s32 $0xFFFFFC00  }
0x54: {  	_ =	swait.ge [sflag:s28], $0xC00  }
0x55: {  	[sflag:s28] =	ssyncset.done $0x0  }
0x56: {  	s29 =	simm.s32 $0x1C00;
	[sflag:s28] =	ssyncadd.s32 $0xFFFFF400  }
0x57: {  	v1 =	vld [tilespmem:s29+$0x0]  }
0x58: {  	s30 =	simm.s32 $0x32;
	s0 =	simm.s32 $0x0  }
.LBB2_5:
0x59: {  	p1 =	sne.s32 s30, $0xBD2;
	v2 =	vadd.s32 s0, v0;
	s0 =	sadd.s32 $0xFFFFFFFF, s28  }
0x5a: {  	v3 =	vadd.s32 s0, v0  }
0x5b: {  	v4 =	vadd.s32 s28, v0;
	s28 =	smov.u32 s30  }
0x5c: {  	v1 =	vmul.u32 $0x3, v1;
	_ =	sdelay $0x1  }
.Ltmp3:
0x5d: {  	[tilespmem:v2+s24+$0x0] =	vst.idx.msk $0xffff, v1;
	v2 =	vadd.s32 $0x1, v1;
	(pc) =	sbr.rel @p1 .LBB2_5-.Ltmp3, $4  }
0x5e: {  	v1 =	vadd.s32 $0x2, v1;
	[tilespmem:v3+s24+$0x0] =	vst.idx.msk $0xffff, v2  }
0x5f: {  	s29 =	sadd.s32 $0x10, s29;
	[tilespmem:v4+s24+$0x0] =	vst.idx.msk $0xffff, v1  }
0x60: {  	v1 =	vld [tilespmem:s29+$0x0]  }
0x61: {  	s30 =	sadd.s32 $0x30, s30;
	s0 =	sadd.s32 $0xFFFFFFFE, s28  }
0x62: {  	v2 =	vadd.s32 s0, v0;
	s31 =	sadd.s32 $0xFFFFFFFF, s28  }
0x63: {  	v3 =	vadd.s32 s31, v0  }
0x64: {  	v4 =	vadd.s32 s28, v0  }
0x65: {  	v1 =	vmul.u32 $0x3, v1;
	_ =	sdelay $0x1  }
0x66: {  	s26 =	sadd.s32 $0x1, s26;
	[tilespmem:v2+s24+$0x0] =	vst.idx.msk $0xffff, v1;
	v2 =	vadd.s32 $0x1, v1  }
0x67: {  	p1 =	sne.s32 s26, s12;
	v1 =	vadd.s32 $0x2, v1;
	[tilespmem:v3+s24+$0x0] =	vst.idx.msk $0xffff, v2  }
.Ltmp4:
0x68: {  	[tilespmem:v4+s24+$0x0] =	vst.idx.msk $0xffff, v1;
	(pc) =	sbr.rel @p1 .LBB2_2-.Ltmp4, $4  }
0x69: {  	[spmem:s2] =	stream.indirect.scatter.add.f32 [tilespmem:s19], [sflag:$0x5], $0x1, s24, s19, $0xb8;
	[tilespmem:$0xCAD0] =	vst v63  }
0x6a: {  	_ =	swait.ge [sflag:s16], $0xC00  }
0x6b: {  	[sflag:s16] =	ssyncset.done $0x0  }
0x6c: {  	[sflag:s16] =	ssyncadd.s32 $0xFFFFF400  }
.Ltmp5:
0x6d: {  	(pc) =	sbr.rel @p0 .LBB2_11-.Ltmp5, $1  }
0x6e: {  	_ =	sdelay $0x3  }
0x6f: {  	_ =	swait.ge [sflag:s20], $0x400  }
0x70: {  	[sflag:s20] =	ssyncset.done $0x0  }
0x71: {  	[sflag:s20] =	ssyncadd.s32 $0xFFFFFC00  }
0x72: {  	_ =	swait.ge [sflag:s21], $0xC00  }
0x73: {  	[sflag:s21] =	ssyncset.done $0x0  }
0x74: {  	s28 =	simm.s32 $0x1800;
	[sflag:s21] =	ssyncadd.s32 $0xFFFFF400  }
0x75: {  	v1 =	vld [tilespmem:s28+$0x0]  }
0x76: {  	s26 =	simm.s32 $0x2;
	s0 =	simm.s32 $0x0;
	s29 =	simm.s32 $0x32  }
.LBB2_9:
0x77: {  	p1 =	sne.s32 s29, $0xBD2;
	v2 =	vadd.s32 s0, v0;
	s0 =	sadd.s32 $0xFFFFFFFF, s26  }
0x78: {  	v3 =	vadd.s32 s0, v0  }
0x79: {  	v4 =	vadd.s32 s26, v0;
	s26 =	smov.u32 s29  }
0x7a: {  	v1 =	vmul.u32 $0x3, v1;
	_ =	sdelay $0x1  }
.Ltmp6:
0x7b: {  	[tilespmem:v2+s22+$0x0] =	vst.idx.msk $0xffff, v1;
	v2 =	vadd.s32 $0x1, v1;
	(pc) =	sbr.rel @p1 .LBB2_9-.Ltmp6, $4  }
0x7c: {  	v1 =	vadd.s32 $0x2, v1;
	[tilespmem:v3+s22+$0x0] =	vst.idx.msk $0xffff, v2  }
0x7d: {  	s28 =	sadd.s32 $0x10, s28;
	[tilespmem:v4+s22+$0x0] =	vst.idx.msk $0xffff, v1  }
0x7e: {  	v1 =	vld [tilespmem:s28+$0x0]  }
0x7f: {  	s29 =	sadd.s32 $0x30, s29;
	s0 =	sadd.s32 $0xFFFFFFFE, s26  }
0x80: {  	v2 =	vadd.s32 s0, v0;
	s31 =	sadd.s32 $0xFFFFFFFF, s26  }
0x81: {  	v3 =	vadd.s32 s31, v0  }
0x82: {  	v4 =	vadd.s32 s26, v0  }
0x83: {  	v1 =	vmul.u32 $0x3, v1;
	_ =	sdelay $0x1  }
0x84: {  	[tilespmem:v2+s22+$0x0] =	vst.idx.msk $0xffff, v1;
	v2 =	vadd.s32 $0x1, v1  }
0x85: {  	v1 =	vadd.s32 $0x2, v1;
	[tilespmem:v3+s22+$0x0] =	vst.idx.msk $0xffff, v2  }
.Ltmp7:
0x86: {  	[tilespmem:v4+s22+$0x0] =	vst.idx.msk $0xffff, v1;
	(pc) =	sbr.rel .LBB2_11-.Ltmp7, $4  }
0x87: {  	[spmem:s2] =	stream.indirect.scatter.add.f32 [tilespmem:s3], [sflag:$0x5], $0x1, s22, s19, $0xb8;
	[tilespmem:$0xCAD0] =	vst v63  }
0x88: {  	_ =	swait.ge [sflag:s16], $0xC00  }
0x89: {  	[sflag:s16] =	ssyncset.done $0x0  }
0x8a: {  	[sflag:s16] =	ssyncadd.s32 $0xFFFFF400  }
.LBB2_12:
0x8b: {  	_ =	sfence.sel $0x180000  }
0x8c: {  	[bflag:$0x0] =	sbarrier.arrive $0xFFFF  }
0x8d: {  	_ =	strace $0x90000047  }
0x8e: {  	[bflag:$0x2] =	sbarrier.arrive $0xFFFF  }
0x8f: {  	p0 =	sne.s32 s1, $0x0;
	s0 =	rddreg [dreg:$0x3]  }
0x90: {  	s0 =	sadd.s32 @!p0 $0x100000, s0  }
0x91: {  	[sflag:s0] =	ssyncadd.tile.s32 @!p0 $0x1;
	_ =	shalt  }
.Lfunc_end2:
_tile_overlayer_lowered:
.L_overlay_start_2:
0x92: {  	(tag) =	ssettag $0x2  }
0x93: {  	s0 =	rddreg [dreg:$0x0];
	s2 =	stileid.u32  }
0x94: {  	s1 =	rddreg [dreg:$0x1];
	p0 =	sne.s32 s2, $0x0  }
0x95: {  	s3 =	rddreg [dreg:$0x2];
	[bflag:$0x3] =	sbarrier.arrive $0xFFFF;
	s2 =	simm.s32 @!p0 $0x1C05  }
0x96: {  	[timem:s3], [sflag:s2] =	dma.local @!p0 [hbm:s0], s1  }
0x97: {  	s0 =	simm.s32 @!p0 $0x5  }
0x98: {  	_ =	swait.ge @!p0 [sflag:s0], s1  }
0x99: {  	s1 =	ssub.s32 @!p0 $0x0, s1;
	[sflag:s0] =	ssyncset.done @!p0 $0x0  }
0x9a: {  	[sflag:s0] =	ssyncadd.s32 @!p0 s1  }
0x9b: {  	[bflag:$0x3] =	sbarrier.arrive $0xFFFF  }
0x9c: {  	_ =	shalt  }

</sc_bundles>
